<compile_context>
chip_gen: v7x
topology: tpu7x:2x2x1
jax: 0.10.2.dev20260603
libtpu: 0.0.44.dev20260713+nightly
codegen_flags: <defaults>
</compile_context>

<pallas_src>
import jax
import jax.numpy as jnp
import numpy as np
from jax import lax
from jax.experimental import pallas as pl
from jax.experimental.pallas import tpu as pltpu
from jax.experimental.pallas import tpu_sc as plsc

N, E, D, C = 10000, 320000, 128, 128
NC, NS = 2, 16
DH = D // NC
EPW = E // NS
K = 125
NCH = EPW // K
CPC = NCH // NC
NPAD = 10240
RPT = NPAD // NS
NBUF = 4
ZR = 128


def _sc_body(xl_hbm, xr_hbm, idx_hbm, z64_hbm, z16_hbm, o16_hbm,
             agg_out, cnt_out,
             src_v, dst_v, rows_v, ones_v, acc_sh, cnt_sh, sems, osem):
    cid = lax.axis_index("c")
    sid = lax.axis_index("s")

    row0 = sid * RPT
    pltpu.sync_copy(z64_hbm, acc_sh.at[pl.ds(row0, RPT)])
    pltpu.sync_copy(z16_hbm, cnt_sh.at[pl.ds(row0, RPT)])

    pltpu.sync_copy(idx_hbm.at[0, sid], src_v)
    pltpu.sync_copy(idx_hbm.at[1, sid], dst_v)
    pltpu.sync_copy(o16_hbm, ones_v)

    plsc.subcore_barrier()

    def gather(j, b):
        @pl.when(cid == 0)
        def _():
            pltpu.async_copy(xl_hbm.at[src_v.at[j]], rows_v.at[b], sems.at[b])

        @pl.when(cid == 1)
        def _():
            pltpu.async_copy(xr_hbm.at[src_v.at[j]], rows_v.at[b], sems.at[b])

    for b in range(NBUF):
        gather(b, b)

    def step(t, carry):
        jj = t * NBUF
        for b in range(NBUF):
            j = jj + b
            pltpu.make_async_copy(xl_hbm.at[src_v.at[j]], rows_v.at[b],
                                  sems.at[b]).wait()
            pltpu.sync_copy(rows_v.at[b], acc_sh.at[dst_v.at[j]], add=True)

            @pl.when((j >= cid * CPC) & (j < (cid + 1) * CPC))
            def _():
                pltpu.async_copy(ones_v, cnt_sh.at[src_v.at[j]], osem,
                                 add=True)

            @pl.when(j + NBUF < NCH)
            def _():
                gather(j + NBUF, b)
        return carry

    lax.fori_loop(0, NCH // NBUF, step, 0)

    def drain(t, carry):
        pltpu.make_async_copy(ones_v, cnt_sh.at[src_v.at[0]], osem).wait()
        return carry

    lax.fori_loop(0, CPC, drain, 0)

    plsc.subcore_barrier()

    pltpu.sync_copy(acc_sh.at[pl.ds(row0, RPT)],
                    agg_out.at[cid, pl.ds(row0, RPT)])
    pltpu.sync_copy(cnt_sh.at[pl.ds(row0, RPT)],
                    cnt_out.at[cid, pl.ds(row0, RPT)])


@jax.jit
def _sc_scatter(xl, xr, idx4, z64, z16, o16):
    mesh = plsc.VectorSubcoreMesh(core_axis_name="c", subcore_axis_name="s")
    return pl.kernel(
        _sc_body,
        out_type=(jax.ShapeDtypeStruct((NC, NPAD, DH), jnp.float32),
                  jax.ShapeDtypeStruct((NC, NPAD, 16), jnp.float32)),
        mesh=mesh,
        scratch_types=[
            pltpu.VMEM((NCH, K), jnp.int32),
            pltpu.VMEM((NCH, K), jnp.int32),
            pltpu.VMEM((NBUF, K, DH), jnp.float32),
            pltpu.VMEM((K, 16), jnp.float32),
            pltpu.VMEM_SHARED((NPAD, DH), jnp.float32),
            pltpu.VMEM_SHARED((NPAD, 16), jnp.float32),
            pltpu.SemaphoreType.DMA((NBUF,)),
            pltpu.SemaphoreType.DMA,
        ],
        compiler_params=pltpu.CompilerParams(use_tc_tiling_on_sc=False),
    )(xl, xr, idx4, z64, z16, o16)


_Z64 = np.zeros((RPT, DH), np.float32)
_Z16 = np.zeros((RPT, 16), np.float32)
_O16 = np.ones((K, 16), np.float32)

BR = 2000


def _tc_body(x_ref, agg_ref, cnt_ref, w1_ref, b1_ref, w2_ref, b2_ref,
             out_ref, acc_ref):
    i = pl.program_id(0)
    def dot(a, b, prec):
        return lax.dot_general(a, b, (((1,), (0,)), ((), ())),
                               preferred_element_type=jnp.float32,
                               precision=prec)
    hp = lax.Precision.HIGHEST
    y = (dot(x_ref[...], w1_ref[...], None)
         + dot(agg_ref[0], w1_ref[0:DH, :], None)
         + dot(agg_ref[1], w1_ref[DH:D, :], None))
    h = jnp.maximum(y + b1_ref[...], 0.0)
    w_col = 1.0 + cnt_ref[0, :, 0:1] + cnt_ref[1, :, 0:1]
    p = jnp.sum(h * w_col, axis=0, keepdims=True)

    @pl.when(i == 0)
    def _():
        acc_ref[...] = p

    @pl.when(i > 0)
    def _():
        acc_ref[...] = acc_ref[...] + p

    @pl.when(i == (N // BR) - 1)
    def _():
        out_ref[...] = (dot(acc_ref[...], w2_ref[...], hp)
                        + float(N) * b2_ref[...])


@jax.jit
def _tc_stage(x, aggp, cntp, W1, b1, W2, b2):
    return pl.pallas_call(
        _tc_body,
        grid=(N // BR,),
        in_specs=[
            pl.BlockSpec((BR, D), lambda i: (i, 0)),
            pl.BlockSpec((NC, BR, DH), lambda i: (0, i, 0)),
            pl.BlockSpec((NC, BR, 16), lambda i: (0, i, 0)),
            pl.BlockSpec((D, C), lambda i: (0, 0)),
            pl.BlockSpec((1, C), lambda i: (0, 0)),
            pl.BlockSpec((C, C), lambda i: (0, 0)),
            pl.BlockSpec((1, C), lambda i: (0, 0)),
        ],
        out_specs=pl.BlockSpec((1, C), lambda i: (0, 0)),
        out_shape=jax.ShapeDtypeStruct((1, C), jnp.float32),
        scratch_shapes=[pltpu.VMEM((1, C), jnp.float32)],
    )(x, aggp, cntp, W1, b1, W2, b2)


def kernel(x, edge_index, W1, b1, W2, b2):
    xl = x[:, :DH]
    xr = x[:, DH:]
    idx4 = edge_index.reshape(2, NS, NCH, K)
    aggp, cntp = _sc_scatter(xl, xr, idx4, _Z64, _Z16, _O16)
    return _tc_stage(x, aggp, cntp, W1, b1.reshape(1, C), W2, b2.reshape(1, C))

# --- scband reference (transcript-rebuilt; emitter-appended) ---
"""Pipeline reference for scband-gin-64527588655342 (READ-ONLY COPY).

The authoritative reference and input builder live on the scoring server;
editing this copy changes nothing except your own understanding.
"""

import jax, jax.numpy as jnp
import numpy as np

N, E, D, C = 10000, 320000, 128, 128

def setup_inputs(seed: int = 0):
    key = jax.random.key(seed)
    k1, k2, k3, k4 = jax.random.split(key, 4)
    x = jax.random.normal(k1, (N, D), dtype=jnp.float32)
    edge_index = jax.random.randint(k2, (2, E), 0, N, dtype=jnp.int32)
    W1 = jax.random.normal(k3, (D, C), dtype=jnp.float32) / np.sqrt(D)
    b1 = jnp.zeros((C,), dtype=jnp.float32)
    W2 = jax.random.normal(k4, (C, C), dtype=jnp.float32) / np.sqrt(C)
    b2 = jnp.zeros((C,), dtype=jnp.float32)
    return {"x": x, "edge_index": edge_index, "W1": W1, "b1": b1, "W2": W2, "b2": b2}

def reference(x, edge_index, W1, b1, W2, b2):
    # DGL GINConv with aggregator_type='sum', eps=0 (fixed, not learned):
    #   rst = apply_func((1+eps)*x + sum_{j in N(i)} x_j)
    src = edge_index[0]
    dst = edge_index[1]
    eps = 0.0
    # conv1: gather source features, scatter-add into destination nodes
    agg1 = jnp.zeros_like(x).at[dst].add(x[src])
    h = ((1.0 + eps) * x + agg1) @ W1 + b1
    h = jax.nn.relu(h)
    # conv2
    agg2 = jnp.zeros_like(h).at[dst].add(h[src])
    h2 = ((1.0 + eps) * h + agg2) @ W2 + b2
    # SumPooling over a single graph -> [1, C]
    out = jnp.sum(h2, axis=0, keepdims=True)
    return out

if __name__ == "__main__":
    import jax
    _d = setup_inputs()
    print(jax.jit(kernel)(*tuple(_d.values())))

</pallas_src>

<mosaic_0001>
#map = affine_map<(d0, d1) -> (0, 0)>
#map1 = affine_map<(d0, d1) -> (0, 0, 0, 0)>
#map2 = affine_map<(d0, d1) -> (0, 0, 0)>
module attributes {stable_mosaic.version = 14 : i64} {
  func.func @_sc_body(%arg0: i32, %arg1: i32, %arg2: memref<10000x64xf32, #tpu.memory_space<hbm>>, %arg3: memref<10000x64xf32, #tpu.memory_space<hbm>>, %arg4: memref<2x16x160x125xi32, #tpu.memory_space<hbm>>, %arg5: memref<640x64xf32, #tpu.memory_space<hbm>>, %arg6: memref<640x16xf32, #tpu.memory_space<hbm>>, %arg7: memref<125x16xf32, #tpu.memory_space<hbm>>, %arg8: memref<2x10240x64xf32, #tpu.memory_space<hbm>>, %arg9: memref<2x10240x16xf32, #tpu.memory_space<hbm>>, %arg10: memref<160x125xi32, #tpu.memory_space<vmem>>, %arg11: memref<160x125xi32, #tpu.memory_space<vmem>>, %arg12: memref<4x125x64xf32, #tpu.memory_space<vmem>>, %arg13: memref<125x16xf32, #tpu.memory_space<vmem>>, %arg14: memref<10240x64xf32, #tpu.memory_space<vmem_shared>>, %arg15: memref<10240x16xf32, #tpu.memory_space<vmem_shared>>, %arg16: memref<4x!tpu.dma_semaphore, #tpu.memory_space<semaphore_mem>>, %arg17: memref<!tpu.dma_semaphore, #tpu.memory_space<semaphore_mem>>) attributes {dimension_semantics = [#tpu.dimension_semantics<core_parallel>, #tpu.dimension_semantics<subcore_parallel>], iteration_bounds = array<i64: 2, 16>, scalar_prefetch = 0 : i64, scratch_operands = 8 : i64, tpu.core_type = #tpu.core_type<sc_vector_subcore>, window_params = [{transform_indices = #map}, {transform_indices = #map}, {transform_indices = #map1}, {transform_indices = #map}, {transform_indices = #map}, {transform_indices = #map}, {transform_indices = #map2}, {transform_indices = #map2}]} {
    %mul3A = arith.constant 640 : i32
    %mul3A_0 = arith.muli %arg1, %mul3A : i32
    "tpu.region"() ({
      %run_scoped3A_51 = tpu.sem_alloc : memref<!tpu.dma_semaphore, #tpu.memory_space<semaphore_mem>>
      %dma_start3A = arith.constant 0 : i32
      %dma_start3A_52 = tpu.memref_slice %arg14[%mul3A_0, %dma_start3A] : memref<10240x64xf32, #tpu.memory_space<vmem_shared>> -> memref<640x64xf32, #tpu.memory_space<vmem_shared>>
      tpu.enqueue_dma source(%arg5 : memref<640x64xf32, #tpu.memory_space<hbm>>) target(%dma_start3A_52 : memref<640x64xf32, #tpu.memory_space<vmem_shared>>) target_semaphore(%run_scoped3A_51 : memref<!tpu.dma_semaphore, #tpu.memory_space<semaphore_mem>>)
      %dma_wait3A = arith.constant 0 : i32
      %dma_wait3A_53 = tpu.memref_slice %arg14[%mul3A_0, %dma_wait3A] : memref<10240x64xf32, #tpu.memory_space<vmem_shared>> -> memref<640x64xf32, #tpu.memory_space<vmem_shared>>
      tpu.wait_dma2 semaphore(%run_scoped3A_51 : memref<!tpu.dma_semaphore, #tpu.memory_space<semaphore_mem>>) src(%arg5 : memref<640x64xf32, #tpu.memory_space<hbm>>) dst(%dma_wait3A_53 : memref<640x64xf32, #tpu.memory_space<vmem_shared>>)
      tpu.yield
    }) : () -> ()
    "tpu.region"() ({
      %run_scoped3A_51 = tpu.sem_alloc : memref<!tpu.dma_semaphore, #tpu.memory_space<semaphore_mem>>
      %dma_start3A = arith.constant 0 : i32
      %dma_start3A_52 = tpu.memref_slice %arg15[%mul3A_0, %dma_start3A] : memref<10240x16xf32, #tpu.memory_space<vmem_shared>> -> memref<640x16xf32, #tpu.memory_space<vmem_shared>>
      tpu.enqueue_dma source(%arg6 : memref<640x16xf32, #tpu.memory_space<hbm>>) target(%dma_start3A_52 : memref<640x16xf32, #tpu.memory_space<vmem_shared>>) target_semaphore(%run_scoped3A_51 : memref<!tpu.dma_semaphore, #tpu.memory_space<semaphore_mem>>)
      %dma_wait3A = arith.constant 0 : i32
      %dma_wait3A_53 = tpu.memref_slice %arg15[%mul3A_0, %dma_wait3A] : memref<10240x16xf32, #tpu.memory_space<vmem_shared>> -> memref<640x16xf32, #tpu.memory_space<vmem_shared>>
      tpu.wait_dma2 semaphore(%run_scoped3A_51 : memref<!tpu.dma_semaphore, #tpu.memory_space<semaphore_mem>>) src(%arg6 : memref<640x16xf32, #tpu.memory_space<hbm>>) dst(%dma_wait3A_53 : memref<640x16xf32, #tpu.memory_space<vmem_shared>>)
      tpu.yield
    }) : () -> ()
    %run_scoped3A = arith.constant 0 : i32
    "tpu.region"() ({
      %run_scoped3A_51 = tpu.sem_alloc : memref<!tpu.dma_semaphore, #tpu.memory_space<semaphore_mem>>
      %dma_start3A = arith.constant 0 : i32
      %dma_start3A_52 = arith.constant 0 : i32
      %dma_start3A_53 = tpu.memref_slice %arg4[%run_scoped3A, %arg1, %dma_start3A, %dma_start3A_52] : memref<2x16x160x125xi32, #tpu.memory_space<hbm>> -> memref<1x1x160x125xi32, #tpu.memory_space<hbm>>
      %dma_start3A_54 = tpu.memref_squeeze %dma_start3A_53 : memref<1x1x160x125xi32, #tpu.memory_space<hbm>> -> memref<160x125xi32, #tpu.memory_space<hbm>>
      %dma_start3A_55 = arith.constant 0 : i32
      %dma_start3A_56 = arith.constant 0 : i32
      %dma_start3A_57 = tpu.memref_slice %arg4[%run_scoped3A, %arg1, %dma_start3A_55, %dma_start3A_56] : memref<2x16x160x125xi32, #tpu.memory_space<hbm>> -> memref<1x1x160x125xi32, #tpu.memory_space<hbm>>
      %dma_start3A_58 = tpu.memref_squeeze %dma_start3A_57 : memref<1x1x160x125xi32, #tpu.memory_space<hbm>> -> memref<160x125xi32, #tpu.memory_space<hbm>>
      tpu.enqueue_dma source(%dma_start3A_58 : memref<160x125xi32, #tpu.memory_space<hbm>>) target(%arg10 : memref<160x125xi32, #tpu.memory_space<vmem>>) target_semaphore(%run_scoped3A_51 : memref<!tpu.dma_semaphore, #tpu.memory_space<semaphore_mem>>)
      %dma_wait3A = arith.constant 0 : i32
      %dma_wait3A_59 = arith.constant 0 : i32
      %dma_wait3A_60 = tpu.memref_slice %arg4[%run_scoped3A, %arg1, %dma_wait3A, %dma_wait3A_59] : memref<2x16x160x125xi32, #tpu.memory_space<hbm>> -> memref<1x1x160x125xi32, #tpu.memory_space<hbm>>
      %dma_wait3A_61 = tpu.memref_squeeze %dma_wait3A_60 : memref<1x1x160x125xi32, #tpu.memory_space<hbm>> -> memref<160x125xi32, #tpu.memory_space<hbm>>
      %dma_wait3A_62 = arith.constant 0 : i32
      %dma_wait3A_63 = arith.constant 0 : i32
      %dma_wait3A_64 = tpu.memref_slice %arg4[%run_scoped3A, %arg1, %dma_wait3A_62, %dma_wait3A_63] : memref<2x16x160x125xi32, #tpu.memory_space<hbm>> -> memref<1x1x160x125xi32, #tpu.memory_space<hbm>>
      %dma_wait3A_65 = tpu.memref_squeeze %dma_wait3A_64 : memref<1x1x160x125xi32, #tpu.memory_space<hbm>> -> memref<160x125xi32, #tpu.memory_space<hbm>>
      tpu.wait_dma2 semaphore(%run_scoped3A_51 : memref<!tpu.dma_semaphore, #tpu.memory_space<semaphore_mem>>) src(%dma_wait3A_65 : memref<160x125xi32, #tpu.memory_space<hbm>>) dst(%arg10 : memref<160x125xi32, #tpu.memory_space<vmem>>)
      tpu.yield
    }) : () -> ()
    %run_scoped3A_1 = arith.constant 1 : i32
    "tpu.region"() ({
      %run_scoped3A_51 = tpu.sem_alloc : memref<!tpu.dma_semaphore, #tpu.memory_space<semaphore_mem>>
      %dma_start3A = arith.constant 0 : i32
      %dma_start3A_52 = arith.constant 0 : i32
      %dma_start3A_53 = tpu.memref_slice %arg4[%run_scoped3A_1, %arg1, %dma_start3A, %dma_start3A_52] : memref<2x16x160x125xi32, #tpu.memory_space<hbm>> -> memref<1x1x160x125xi32, #tpu.memory_space<hbm>>
      %dma_start3A_54 = tpu.memref_squeeze %dma_start3A_53 : memref<1x1x160x125xi32, #tpu.memory_space<hbm>> -> memref<160x125xi32, #tpu.memory_space<hbm>>
      %dma_start3A_55 = arith.constant 0 : i32
      %dma_start3A_56 = arith.constant 0 : i32
      %dma_start3A_57 = tpu.memref_slice %arg4[%run_scoped3A_1, %arg1, %dma_start3A_55, %dma_start3A_56] : memref<2x16x160x125xi32, #tpu.memory_space<hbm>> -> memref<1x1x160x125xi32, #tpu.memory_space<hbm>>
      %dma_start3A_58 = tpu.memref_squeeze %dma_start3A_57 : memref<1x1x160x125xi32, #tpu.memory_space<hbm>> -> memref<160x125xi32, #tpu.memory_space<hbm>>
      tpu.enqueue_dma source(%dma_start3A_58 : memref<160x125xi32, #tpu.memory_space<hbm>>) target(%arg11 : memref<160x125xi32, #tpu.memory_space<vmem>>) target_semaphore(%run_scoped3A_51 : memref<!tpu.dma_semaphore, #tpu.memory_space<semaphore_mem>>)
      %dma_wait3A = arith.constant 0 : i32
      %dma_wait3A_59 = arith.constant 0 : i32
      %dma_wait3A_60 = tpu.memref_slice %arg4[%run_scoped3A_1, %arg1, %dma_wait3A, %dma_wait3A_59] : memref<2x16x160x125xi32, #tpu.memory_space<hbm>> -> memref<1x1x160x125xi32, #tpu.memory_space<hbm>>
      %dma_wait3A_61 = tpu.memref_squeeze %dma_wait3A_60 : memref<1x1x160x125xi32, #tpu.memory_space<hbm>> -> memref<160x125xi32, #tpu.memory_space<hbm>>
      %dma_wait3A_62 = arith.constant 0 : i32
      %dma_wait3A_63 = arith.constant 0 : i32
      %dma_wait3A_64 = tpu.memref_slice %arg4[%run_scoped3A_1, %arg1, %dma_wait3A_62, %dma_wait3A_63] : memref<2x16x160x125xi32, #tpu.memory_space<hbm>> -> memref<1x1x160x125xi32, #tpu.memory_space<hbm>>
      %dma_wait3A_65 = tpu.memref_squeeze %dma_wait3A_64 : memref<1x1x160x125xi32, #tpu.memory_space<hbm>> -> memref<160x125xi32, #tpu.memory_space<hbm>>
      tpu.wait_dma2 semaphore(%run_scoped3A_51 : memref<!tpu.dma_semaphore, #tpu.memory_space<semaphore_mem>>) src(%dma_wait3A_65 : memref<160x125xi32, #tpu.memory_space<hbm>>) dst(%arg11 : memref<160x125xi32, #tpu.memory_space<vmem>>)
      tpu.yield
    }) : () -> ()
    "tpu.region"() ({
      %run_scoped3A_51 = tpu.sem_alloc : memref<!tpu.dma_semaphore, #tpu.memory_space<semaphore_mem>>
      tpu.enqueue_dma source(%arg7 : memref<125x16xf32, #tpu.memory_space<hbm>>) target(%arg13 : memref<125x16xf32, #tpu.memory_space<vmem>>) target_semaphore(%run_scoped3A_51 : memref<!tpu.dma_semaphore, #tpu.memory_space<semaphore_mem>>)
      tpu.wait_dma2 semaphore(%run_scoped3A_51 : memref<!tpu.dma_semaphore, #tpu.memory_space<semaphore_mem>>) src(%arg7 : memref<125x16xf32, #tpu.memory_space<hbm>>) dst(%arg13 : memref<125x16xf32, #tpu.memory_space<vmem>>)
      tpu.yield
    }) : () -> ()
    %barrier3A = arith.constant 0 : index
    tpu.barrier barrier_id(%barrier3A)
    %eq3A = arith.constant 0 : i32
    %eq3A_2 = arith.cmpi eq, %arg0, %eq3A : i32
    %convert_element_type3A = arith.extui %eq3A_2 : i1 to i32
    %cond3A = arith.constant 0 : i32
    %cond3A_3 = arith.cmpi ne, %convert_element_type3A, %cond3A : i32
    scf.if %cond3A_3 {
      %dma_start3A = arith.constant 0 : i32
      %dma_start3A_51 = arith.constant 0 : i32
      %dma_start3A_52 = arith.constant 0 : i32
      %dma_start3A_53 = arith.constant 0 : i32
      %dma_start3A_54 = arith.constant 0 : i32
      %dma_start3A_55 = tpu.memref_slice %arg12[%dma_start3A_51, %dma_start3A_53, %dma_start3A_54] : memref<4x125x64xf32, #tpu.memory_space<vmem>> -> memref<1x125x64xf32, #tpu.memory_space<vmem>>
      %dma_start3A_56 = tpu.memref_squeeze %dma_start3A_55 : memref<1x125x64xf32, #tpu.memory_space<vmem>> -> memref<125x64xf32, #tpu.memory_space<vmem>>
      %dma_start3A_57 = arith.constant 0 : i32
      %dma_start3A_58 = tpu.memref_slice %arg10[%dma_start3A, %dma_start3A_57] : memref<160x125xi32, #tpu.memory_space<vmem>> -> memref<1x125xi32, #tpu.memory_space<vmem>>
      %dma_start3A_59 = tpu.memref_squeeze %dma_start3A_58 : memref<1x125xi32, #tpu.memory_space<vmem>> -> memref<125xi32, #tpu.memory_space<vmem>>
      %dma_start3A_60 = arith.constant 0 : i32
      %dma_start3A_61 = arith.constant 0 : i32
      %dma_start3A_62 = tpu.memref_slice %arg2[%dma_start3A_60, %dma_start3A_61] : memref<10000x64xf32, #tpu.memory_space<hbm>> -> memref<10000x64xf32, #tpu.memory_space<hbm>>
      %dma_start3A_63 = tpu.memref_slice %arg16[%dma_start3A_52] : memref<4x!tpu.dma_semaphore, #tpu.memory_space<semaphore_mem>> -> memref<1x!tpu.dma_semaphore, #tpu.memory_space<semaphore_mem>>
      %dma_start3A_64 = tpu.memref_squeeze %dma_start3A_63 : memref<1x!tpu.dma_semaphore, #tpu.memory_space<semaphore_mem>> -> memref<!tpu.dma_semaphore, #tpu.memory_space<semaphore_mem>>
      tpu.enqueue_indirect_dma source(%dma_start3A_62 : memref<10000x64xf32, #tpu.memory_space<hbm>>) target(%dma_start3A_56 : memref<125x64xf32, #tpu.memory_space<vmem>>) offsets(%dma_start3A_59 : memref<125xi32, #tpu.memory_space<vmem>>) semaphore(%dma_start3A_64 : memref<!tpu.dma_semaphore, #tpu.memory_space<semaphore_mem>>)
    } else {
    }
    %eq3A_4 = arith.constant 1 : i32
    %eq3A_5 = arith.cmpi eq, %arg0, %eq3A_4 : i32
    %convert_element_type3A_6 = arith.extui %eq3A_5 : i1 to i32
    %cond3A_7 = arith.constant 0 : i32
    %cond3A_8 = arith.cmpi ne, %convert_element_type3A_6, %cond3A_7 : i32
    scf.if %cond3A_8 {
      %dma_start3A = arith.constant 0 : i32
      %dma_start3A_51 = arith.constant 0 : i32
      %dma_start3A_52 = arith.constant 0 : i32
      %dma_start3A_53 = arith.constant 0 : i32
      %dma_start3A_54 = arith.constant 0 : i32
      %dma_start3A_55 = tpu.memref_slice %arg12[%dma_start3A_51, %dma_start3A_53, %dma_start3A_54] : memref<4x125x64xf32, #tpu.memory_space<vmem>> -> memref<1x125x64xf32, #tpu.memory_space<vmem>>
      %dma_start3A_56 = tpu.memref_squeeze %dma_start3A_55 : memref<1x125x64xf32, #tpu.memory_space<vmem>> -> memref<125x64xf32, #tpu.memory_space<vmem>>
      %dma_start3A_57 = arith.constant 0 : i32
      %dma_start3A_58 = tpu.memref_slice %arg10[%dma_start3A, %dma_start3A_57] : memref<160x125xi32, #tpu.memory_space<vmem>> -> memref<1x125xi32, #tpu.memory_space<vmem>>
      %dma_start3A_59 = tpu.memref_squeeze %dma_start3A_58 : memref<1x125xi32, #tpu.memory_space<vmem>> -> memref<125xi32, #tpu.memory_space<vmem>>
      %dma_start3A_60 = arith.constant 0 : i32
      %dma_start3A_61 = arith.constant 0 : i32
      %dma_start3A_62 = tpu.memref_slice %arg3[%dma_start3A_60, %dma_start3A_61] : memref<10000x64xf32, #tpu.memory_space<hbm>> -> memref<10000x64xf32, #tpu.memory_space<hbm>>
      %dma_start3A_63 = tpu.memref_slice %arg16[%dma_start3A_52] : memref<4x!tpu.dma_semaphore, #tpu.memory_space<semaphore_mem>> -> memref<1x!tpu.dma_semaphore, #tpu.memory_space<semaphore_mem>>
      %dma_start3A_64 = tpu.memref_squeeze %dma_start3A_63 : memref<1x!tpu.dma_semaphore, #tpu.memory_space<semaphore_mem>> -> memref<!tpu.dma_semaphore, #tpu.memory_space<semaphore_mem>>
      tpu.enqueue_indirect_dma source(%dma_start3A_62 : memref<10000x64xf32, #tpu.memory_space<hbm>>) target(%dma_start3A_56 : memref<125x64xf32, #tpu.memory_space<vmem>>) offsets(%dma_start3A_59 : memref<125xi32, #tpu.memory_space<vmem>>) semaphore(%dma_start3A_64 : memref<!tpu.dma_semaphore, #tpu.memory_space<semaphore_mem>>)
    } else {
    }
    %eq3A_9 = arith.constant 0 : i32
    %eq3A_10 = arith.cmpi eq, %arg0, %eq3A_9 : i32
    %convert_element_type3A_11 = arith.extui %eq3A_10 : i1 to i32
    %cond3A_12 = arith.constant 0 : i32
    %cond3A_13 = arith.cmpi ne, %convert_element_type3A_11, %cond3A_12 : i32
    scf.if %cond3A_13 {
      %dma_start3A = arith.constant 1 : i32
      %dma_start3A_51 = arith.constant 1 : i32
      %dma_start3A_52 = arith.constant 1 : i32
      %dma_start3A_53 = arith.constant 0 : i32
      %dma_start3A_54 = arith.constant 0 : i32
      %dma_start3A_55 = tpu.memref_slice %arg12[%dma_start3A_51, %dma_start3A_53, %dma_start3A_54] : memref<4x125x64xf32, #tpu.memory_space<vmem>> -> memref<1x125x64xf32, #tpu.memory_space<vmem>>
      %dma_start3A_56 = tpu.memref_squeeze %dma_start3A_55 : memref<1x125x64xf32, #tpu.memory_space<vmem>> -> memref<125x64xf32, #tpu.memory_space<vmem>>
      %dma_start3A_57 = arith.constant 0 : i32
      %dma_start3A_58 = tpu.memref_slice %arg10[%dma_start3A, %dma_start3A_57] : memref<160x125xi32, #tpu.memory_space<vmem>> -> memref<1x125xi32, #tpu.memory_space<vmem>>
      %dma_start3A_59 = tpu.memref_squeeze %dma_start3A_58 : memref<1x125xi32, #tpu.memory_space<vmem>> -> memref<125xi32, #tpu.memory_space<vmem>>
      %dma_start3A_60 = arith.constant 0 : i32
      %dma_start3A_61 = arith.constant 0 : i32
      %dma_start3A_62 = tpu.memref_slice %arg2[%dma_start3A_60, %dma_start3A_61] : memref<10000x64xf32, #tpu.memory_space<hbm>> -> memref<10000x64xf32, #tpu.memory_space<hbm>>
      %dma_start3A_63 = tpu.memref_slice %arg16[%dma_start3A_52] : memref<4x!tpu.dma_semaphore, #tpu.memory_space<semaphore_mem>> -> memref<1x!tpu.dma_semaphore, #tpu.memory_space<semaphore_mem>>
      %dma_start3A_64 = tpu.memref_squeeze %dma_start3A_63 : memref<1x!tpu.dma_semaphore, #tpu.memory_space<semaphore_mem>> -> memref<!tpu.dma_semaphore, #tpu.memory_space<semaphore_mem>>
      tpu.enqueue_indirect_dma source(%dma_start3A_62 : memref<10000x64xf32, #tpu.memory_space<hbm>>) target(%dma_start3A_56 : memref<125x64xf32, #tpu.memory_space<vmem>>) offsets(%dma_start3A_59 : memref<125xi32, #tpu.memory_space<vmem>>) semaphore(%dma_start3A_64 : memref<!tpu.dma_semaphore, #tpu.memory_space<semaphore_mem>>)
    } else {
    }
    %eq3A_14 = arith.constant 1 : i32
    %eq3A_15 = arith.cmpi eq, %arg0, %eq3A_14 : i32
    %convert_element_type3A_16 = arith.extui %eq3A_15 : i1 to i32
    %cond3A_17 = arith.constant 0 : i32
    %cond3A_18 = arith.cmpi ne, %convert_element_type3A_16, %cond3A_17 : i32
    scf.if %cond3A_18 {
      %dma_start3A = arith.constant 1 : i32
      %dma_start3A_51 = arith.constant 1 : i32
      %dma_start3A_52 = arith.constant 1 : i32
      %dma_start3A_53 = arith.constant 0 : i32
      %dma_start3A_54 = arith.constant 0 : i32
      %dma_start3A_55 = tpu.memref_slice %arg12[%dma_start3A_51, %dma_start3A_53, %dma_start3A_54] : memref<4x125x64xf32, #tpu.memory_space<vmem>> -> memref<1x125x64xf32, #tpu.memory_space<vmem>>
      %dma_start3A_56 = tpu.memref_squeeze %dma_start3A_55 : memref<1x125x64xf32, #tpu.memory_space<vmem>> -> memref<125x64xf32, #tpu.memory_space<vmem>>
      %dma_start3A_57 = arith.constant 0 : i32
      %dma_start3A_58 = tpu.memref_slice %arg10[%dma_start3A, %dma_start3A_57] : memref<160x125xi32, #tpu.memory_space<vmem>> -> memref<1x125xi32, #tpu.memory_space<vmem>>
      %dma_start3A_59 = tpu.memref_squeeze %dma_start3A_58 : memref<1x125xi32, #tpu.memory_space<vmem>> -> memref<125xi32, #tpu.memory_space<vmem>>
      %dma_start3A_60 = arith.constant 0 : i32
      %dma_start3A_61 = arith.constant 0 : i32
      %dma_start3A_62 = tpu.memref_slice %arg3[%dma_start3A_60, %dma_start3A_61] : memref<10000x64xf32, #tpu.memory_space<hbm>> -> memref<10000x64xf32, #tpu.memory_space<hbm>>
      %dma_start3A_63 = tpu.memref_slice %arg16[%dma_start3A_52] : memref<4x!tpu.dma_semaphore, #tpu.memory_space<semaphore_mem>> -> memref<1x!tpu.dma_semaphore, #tpu.memory_space<semaphore_mem>>
      %dma_start3A_64 = tpu.memref_squeeze %dma_start3A_63 : memref<1x!tpu.dma_semaphore, #tpu.memory_space<semaphore_mem>> -> memref<!tpu.dma_semaphore, #tpu.memory_space<semaphore_mem>>
      tpu.enqueue_indirect_dma source(%dma_start3A_62 : memref<10000x64xf32, #tpu.memory_space<hbm>>) target(%dma_start3A_56 : memref<125x64xf32, #tpu.memory_space<vmem>>) offsets(%dma_start3A_59 : memref<125xi32, #tpu.memory_space<vmem>>) semaphore(%dma_start3A_64 : memref<!tpu.dma_semaphore, #tpu.memory_space<semaphore_mem>>)
    } else {
    }
    %eq3A_19 = arith.constant 0 : i32
    %eq3A_20 = arith.cmpi eq, %arg0, %eq3A_19 : i32
    %convert_element_type3A_21 = arith.extui %eq3A_20 : i1 to i32
    %cond3A_22 = arith.constant 0 : i32
    %cond3A_23 = arith.cmpi ne, %convert_element_type3A_21, %cond3A_22 : i32
    scf.if %cond3A_23 {
      %dma_start3A = arith.constant 2 : i32
      %dma_start3A_51 = arith.constant 2 : i32
      %dma_start3A_52 = arith.constant 2 : i32
      %dma_start3A_53 = arith.constant 0 : i32
      %dma_start3A_54 = arith.constant 0 : i32
      %dma_start3A_55 = tpu.memref_slice %arg12[%dma_start3A_51, %dma_start3A_53, %dma_start3A_54] : memref<4x125x64xf32, #tpu.memory_space<vmem>> -> memref<1x125x64xf32, #tpu.memory_space<vmem>>
      %dma_start3A_56 = tpu.memref_squeeze %dma_start3A_55 : memref<1x125x64xf32, #tpu.memory_space<vmem>> -> memref<125x64xf32, #tpu.memory_space<vmem>>
      %dma_start3A_57 = arith.constant 0 : i32
      %dma_start3A_58 = tpu.memref_slice %arg10[%dma_start3A, %dma_start3A_57] : memref<160x125xi32, #tpu.memory_space<vmem>> -> memref<1x125xi32, #tpu.memory_space<vmem>>
      %dma_start3A_59 = tpu.memref_squeeze %dma_start3A_58 : memref<1x125xi32, #tpu.memory_space<vmem>> -> memref<125xi32, #tpu.memory_space<vmem>>
      %dma_start3A_60 = arith.constant 0 : i32
      %dma_start3A_61 = arith.constant 0 : i32
      %dma_start3A_62 = tpu.memref_slice %arg2[%dma_start3A_60, %dma_start3A_61] : memref<10000x64xf32, #tpu.memory_space<hbm>> -> memref<10000x64xf32, #tpu.memory_space<hbm>>
      %dma_start3A_63 = tpu.memref_slice %arg16[%dma_start3A_52] : memref<4x!tpu.dma_semaphore, #tpu.memory_space<semaphore_mem>> -> memref<1x!tpu.dma_semaphore, #tpu.memory_space<semaphore_mem>>
      %dma_start3A_64 = tpu.memref_squeeze %dma_start3A_63 : memref<1x!tpu.dma_semaphore, #tpu.memory_space<semaphore_mem>> -> memref<!tpu.dma_semaphore, #tpu.memory_space<semaphore_mem>>
      tpu.enqueue_indirect_dma source(%dma_start3A_62 : memref<10000x64xf32, #tpu.memory_space<hbm>>) target(%dma_start3A_56 : memref<125x64xf32, #tpu.memory_space<vmem>>) offsets(%dma_start3A_59 : memref<125xi32, #tpu.memory_space<vmem>>) semaphore(%dma_start3A_64 : memref<!tpu.dma_semaphore, #tpu.memory_space<semaphore_mem>>)
    } else {
    }
    %eq3A_24 = arith.constant 1 : i32
    %eq3A_25 = arith.cmpi eq, %arg0, %eq3A_24 : i32
    %convert_element_type3A_26 = arith.extui %eq3A_25 : i1 to i32
    %cond3A_27 = arith.constant 0 : i32
    %cond3A_28 = arith.cmpi ne, %convert_element_type3A_26, %cond3A_27 : i32
    scf.if %cond3A_28 {
      %dma_start3A = arith.constant 2 : i32
      %dma_start3A_51 = arith.constant 2 : i32
      %dma_start3A_52 = arith.constant 2 : i32
      %dma_start3A_53 = arith.constant 0 : i32
      %dma_start3A_54 = arith.constant 0 : i32
      %dma_start3A_55 = tpu.memref_slice %arg12[%dma_start3A_51, %dma_start3A_53, %dma_start3A_54] : memref<4x125x64xf32, #tpu.memory_space<vmem>> -> memref<1x125x64xf32, #tpu.memory_space<vmem>>
      %dma_start3A_56 = tpu.memref_squeeze %dma_start3A_55 : memref<1x125x64xf32, #tpu.memory_space<vmem>> -> memref<125x64xf32, #tpu.memory_space<vmem>>
      %dma_start3A_57 = arith.constant 0 : i32
      %dma_start3A_58 = tpu.memref_slice %arg10[%dma_start3A, %dma_start3A_57] : memref<160x125xi32, #tpu.memory_space<vmem>> -> memref<1x125xi32, #tpu.memory_space<vmem>>
      %dma_start3A_59 = tpu.memref_squeeze %dma_start3A_58 : memref<1x125xi32, #tpu.memory_space<vmem>> -> memref<125xi32, #tpu.memory_space<vmem>>
      %dma_start3A_60 = arith.constant 0 : i32
      %dma_start3A_61 = arith.constant 0 : i32
      %dma_start3A_62 = tpu.memref_slice %arg3[%dma_start3A_60, %dma_start3A_61] : memref<10000x64xf32, #tpu.memory_space<hbm>> -> memref<10000x64xf32, #tpu.memory_space<hbm>>
      %dma_start3A_63 = tpu.memref_slice %arg16[%dma_start3A_52] : memref<4x!tpu.dma_semaphore, #tpu.memory_space<semaphore_mem>> -> memref<1x!tpu.dma_semaphore, #tpu.memory_space<semaphore_mem>>
      %dma_start3A_64 = tpu.memref_squeeze %dma_start3A_63 : memref<1x!tpu.dma_semaphore, #tpu.memory_space<semaphore_mem>> -> memref<!tpu.dma_semaphore, #tpu.memory_space<semaphore_mem>>
      tpu.enqueue_indirect_dma source(%dma_start3A_62 : memref<10000x64xf32, #tpu.memory_space<hbm>>) target(%dma_start3A_56 : memref<125x64xf32, #tpu.memory_space<vmem>>) offsets(%dma_start3A_59 : memref<125xi32, #tpu.memory_space<vmem>>) semaphore(%dma_start3A_64 : memref<!tpu.dma_semaphore, #tpu.memory_space<semaphore_mem>>)
    } else {
    }
    %eq3A_29 = arith.constant 0 : i32
    %eq3A_30 = arith.cmpi eq, %arg0, %eq3A_29 : i32
    %convert_element_type3A_31 = arith.extui %eq3A_30 : i1 to i32
    %cond3A_32 = arith.constant 0 : i32
    %cond3A_33 = arith.cmpi ne, %convert_element_type3A_31, %cond3A_32 : i32
    scf.if %cond3A_33 {
      %dma_start3A = arith.constant 3 : i32
      %dma_start3A_51 = arith.constant 3 : i32
      %dma_start3A_52 = arith.constant 3 : i32
      %dma_start3A_53 = arith.constant 0 : i32
      %dma_start3A_54 = arith.constant 0 : i32
      %dma_start3A_55 = tpu.memref_slice %arg12[%dma_start3A_51, %dma_start3A_53, %dma_start3A_54] : memref<4x125x64xf32, #tpu.memory_space<vmem>> -> memref<1x125x64xf32, #tpu.memory_space<vmem>>
      %dma_start3A_56 = tpu.memref_squeeze %dma_start3A_55 : memref<1x125x64xf32, #tpu.memory_space<vmem>> -> memref<125x64xf32, #tpu.memory_space<vmem>>
      %dma_start3A_57 = arith.constant 0 : i32
      %dma_start3A_58 = tpu.memref_slice %arg10[%dma_start3A, %dma_start3A_57] : memref<160x125xi32, #tpu.memory_space<vmem>> -> memref<1x125xi32, #tpu.memory_space<vmem>>
      %dma_start3A_59 = tpu.memref_squeeze %dma_start3A_58 : memref<1x125xi32, #tpu.memory_space<vmem>> -> memref<125xi32, #tpu.memory_space<vmem>>
      %dma_start3A_60 = arith.constant 0 : i32
      %dma_start3A_61 = arith.constant 0 : i32
      %dma_start3A_62 = tpu.memref_slice %arg2[%dma_start3A_60, %dma_start3A_61] : memref<10000x64xf32, #tpu.memory_space<hbm>> -> memref<10000x64xf32, #tpu.memory_space<hbm>>
      %dma_start3A_63 = tpu.memref_slice %arg16[%dma_start3A_52] : memref<4x!tpu.dma_semaphore, #tpu.memory_space<semaphore_mem>> -> memref<1x!tpu.dma_semaphore, #tpu.memory_space<semaphore_mem>>
      %dma_start3A_64 = tpu.memref_squeeze %dma_start3A_63 : memref<1x!tpu.dma_semaphore, #tpu.memory_space<semaphore_mem>> -> memref<!tpu.dma_semaphore, #tpu.memory_space<semaphore_mem>>
      tpu.enqueue_indirect_dma source(%dma_start3A_62 : memref<10000x64xf32, #tpu.memory_space<hbm>>) target(%dma_start3A_56 : memref<125x64xf32, #tpu.memory_space<vmem>>) offsets(%dma_start3A_59 : memref<125xi32, #tpu.memory_space<vmem>>) semaphore(%dma_start3A_64 : memref<!tpu.dma_semaphore, #tpu.memory_space<semaphore_mem>>)
    } else {
    }
    %eq3A_34 = arith.constant 1 : i32
    %eq3A_35 = arith.cmpi eq, %arg0, %eq3A_34 : i32
    %convert_element_type3A_36 = arith.extui %eq3A_35 : i1 to i32
    %cond3A_37 = arith.constant 0 : i32
    %cond3A_38 = arith.cmpi ne, %convert_element_type3A_36, %cond3A_37 : i32
    scf.if %cond3A_38 {
      %dma_start3A = arith.constant 3 : i32
      %dma_start3A_51 = arith.constant 3 : i32
      %dma_start3A_52 = arith.constant 3 : i32
      %dma_start3A_53 = arith.constant 0 : i32
      %dma_start3A_54 = arith.constant 0 : i32
      %dma_start3A_55 = tpu.memref_slice %arg12[%dma_start3A_51, %dma_start3A_53, %dma_start3A_54] : memref<4x125x64xf32, #tpu.memory_space<vmem>> -> memref<1x125x64xf32, #tpu.memory_space<vmem>>
      %dma_start3A_56 = tpu.memref_squeeze %dma_start3A_55 : memref<1x125x64xf32, #tpu.memory_space<vmem>> -> memref<125x64xf32, #tpu.memory_space<vmem>>
      %dma_start3A_57 = arith.constant 0 : i32
      %dma_start3A_58 = tpu.memref_slice %arg10[%dma_start3A, %dma_start3A_57] : memref<160x125xi32, #tpu.memory_space<vmem>> -> memref<1x125xi32, #tpu.memory_space<vmem>>
      %dma_start3A_59 = tpu.memref_squeeze %dma_start3A_58 : memref<1x125xi32, #tpu.memory_space<vmem>> -> memref<125xi32, #tpu.memory_space<vmem>>
      %dma_start3A_60 = arith.constant 0 : i32
      %dma_start3A_61 = arith.constant 0 : i32
      %dma_start3A_62 = tpu.memref_slice %arg3[%dma_start3A_60, %dma_start3A_61] : memref<10000x64xf32, #tpu.memory_space<hbm>> -> memref<10000x64xf32, #tpu.memory_space<hbm>>
      %dma_start3A_63 = tpu.memref_slice %arg16[%dma_start3A_52] : memref<4x!tpu.dma_semaphore, #tpu.memory_space<semaphore_mem>> -> memref<1x!tpu.dma_semaphore, #tpu.memory_space<semaphore_mem>>
      %dma_start3A_64 = tpu.memref_squeeze %dma_start3A_63 : memref<1x!tpu.dma_semaphore, #tpu.memory_space<semaphore_mem>> -> memref<!tpu.dma_semaphore, #tpu.memory_space<semaphore_mem>>
      tpu.enqueue_indirect_dma source(%dma_start3A_62 : memref<10000x64xf32, #tpu.memory_space<hbm>>) target(%dma_start3A_56 : memref<125x64xf32, #tpu.memory_space<vmem>>) offsets(%dma_start3A_59 : memref<125xi32, #tpu.memory_space<vmem>>) semaphore(%dma_start3A_64 : memref<!tpu.dma_semaphore, #tpu.memory_space<semaphore_mem>>)
    } else {
    }
    %scan3A = arith.constant 0 : i32
    %scan3A_39 = arith.constant 0 : i32
    %scan3A_40 = arith.constant 40 : i32
    %scan3A_41 = arith.addi %scan3A_39, %scan3A_40 : i32
    %scan3A_42 = arith.constant 1 : i32
    scf.for %scan3A_51 = %scan3A_39 to %scan3A_41 step %scan3A_42  : i32 {
      %mul3A_52 = arith.constant 4 : i32
      %mul3A_53 = arith.muli %scan3A_51, %mul3A_52 : i32
      %add3A = arith.constant 0 : i32
      %add3A_54 = arith.addi %mul3A_53, %add3A : i32
      %dma_wait3A = arith.constant 0 : i32
      %dma_wait3A_55 = arith.constant 0 : i32
      %dma_wait3A_56 = arith.constant 0 : i32
      %dma_wait3A_57 = arith.constant 0 : i32
      %dma_wait3A_58 = tpu.memref_slice %arg12[%dma_wait3A, %dma_wait3A_56, %dma_wait3A_57] : memref<4x125x64xf32, #tpu.memory_space<vmem>> -> memref<1x125x64xf32, #tpu.memory_space<vmem>>
      %dma_wait3A_59 = tpu.memref_squeeze %dma_wait3A_58 : memref<1x125x64xf32, #tpu.memory_space<vmem>> -> memref<125x64xf32, #tpu.memory_space<vmem>>
      %dma_wait3A_60 = arith.constant 0 : i32
      %dma_wait3A_61 = tpu.memref_slice %arg10[%add3A_54, %dma_wait3A_60] : memref<160x125xi32, #tpu.memory_space<vmem>> -> memref<1x125xi32, #tpu.memory_space<vmem>>
      %dma_wait3A_62 = tpu.memref_squeeze %dma_wait3A_61 : memref<1x125xi32, #tpu.memory_space<vmem>> -> memref<125xi32, #tpu.memory_space<vmem>>
      %dma_wait3A_63 = arith.constant 0 : i32
      %dma_wait3A_64 = arith.constant 0 : i32
      %dma_wait3A_65 = tpu.memref_slice %arg2[%dma_wait3A_63, %dma_wait3A_64] : memref<10000x64xf32, #tpu.memory_space<hbm>> -> memref<10000x64xf32, #tpu.memory_space<hbm>>
      %dma_wait3A_66 = tpu.memref_slice %arg16[%dma_wait3A_55] : memref<4x!tpu.dma_semaphore, #tpu.memory_space<semaphore_mem>> -> memref<1x!tpu.dma_semaphore, #tpu.memory_space<semaphore_mem>>
      %dma_wait3A_67 = tpu.memref_squeeze %dma_wait3A_66 : memref<1x!tpu.dma_semaphore, #tpu.memory_space<semaphore_mem>> -> memref<!tpu.dma_semaphore, #tpu.memory_space<semaphore_mem>>
      tpu.wait_indirect_dma semaphore(%dma_wait3A_67 : memref<!tpu.dma_semaphore, #tpu.memory_space<semaphore_mem>>) src(%dma_wait3A_65 : memref<10000x64xf32, #tpu.memory_space<hbm>>) dst(%dma_wait3A_59 : memref<125x64xf32, #tpu.memory_space<vmem>>)
      %run_scoped3A_68 = arith.constant 0 : i32
      "tpu.region"() ({
        %run_scoped3A_193 = tpu.sem_alloc : memref<!tpu.dma_semaphore, #tpu.memory_space<semaphore_mem>>
        %dma_start3A = arith.constant 0 : i32
        %dma_start3A_194 = arith.constant 0 : i32
        %dma_start3A_195 = tpu.memref_slice %arg12[%run_scoped3A_68, %dma_start3A, %dma_start3A_194] : memref<4x125x64xf32, #tpu.memory_space<vmem>> -> memref<1x125x64xf32, #tpu.memory_space<vmem>>
        %dma_start3A_196 = tpu.memref_squeeze %dma_start3A_195 : memref<1x125x64xf32, #tpu.memory_space<vmem>> -> memref<125x64xf32, #tpu.memory_space<vmem>>
        %dma_start3A_197 = arith.constant 0 : i32
        %dma_start3A_198 = tpu.memref_slice %arg11[%add3A_54, %dma_start3A_197] : memref<160x125xi32, #tpu.memory_space<vmem>> -> memref<1x125xi32, #tpu.memory_space<vmem>>
        %dma_start3A_199 = tpu.memref_squeeze %dma_start3A_198 : memref<1x125xi32, #tpu.memory_space<vmem>> -> memref<125xi32, #tpu.memory_space<vmem>>
        %dma_start3A_200 = arith.constant 0 : i32
        %dma_start3A_201 = arith.constant 0 : i32
        %dma_start3A_202 = tpu.memref_slice %arg14[%dma_start3A_200, %dma_start3A_201] : memref<10240x64xf32, #tpu.memory_space<vmem_shared>> -> memref<10240x64xf32, #tpu.memory_space<vmem_shared>>
        tpu.enqueue_indirect_dma source(%dma_start3A_196 : memref<125x64xf32, #tpu.memory_space<vmem>>) target(%dma_start3A_202 : memref<10240x64xf32, #tpu.memory_space<vmem_shared>>) offsets(%dma_start3A_199 : memref<125xi32, #tpu.memory_space<vmem>>) semaphore(%run_scoped3A_193 : memref<!tpu.dma_semaphore, #tpu.memory_space<semaphore_mem>>) {add = true}
        %dma_wait3A_203 = arith.constant 0 : i32
        %dma_wait3A_204 = arith.constant 0 : i32
        %dma_wait3A_205 = tpu.memref_slice %arg12[%run_scoped3A_68, %dma_wait3A_203, %dma_wait3A_204] : memref<4x125x64xf32, #tpu.memory_space<vmem>> -> memref<1x125x64xf32, #tpu.memory_space<vmem>>
        %dma_wait3A_206 = tpu.memref_squeeze %dma_wait3A_205 : memref<1x125x64xf32, #tpu.memory_space<vmem>> -> memref<125x64xf32, #tpu.memory_space<vmem>>
        %dma_wait3A_207 = arith.constant 0 : i32
        %dma_wait3A_208 = tpu.memref_slice %arg11[%add3A_54, %dma_wait3A_207] : memref<160x125xi32, #tpu.memory_space<vmem>> -> memref<1x125xi32, #tpu.memory_space<vmem>>
        %dma_wait3A_209 = tpu.memref_squeeze %dma_wait3A_208 : memref<1x125xi32, #tpu.memory_space<vmem>> -> memref<125xi32, #tpu.memory_space<vmem>>
        %dma_wait3A_210 = arith.constant 0 : i32
        %dma_wait3A_211 = arith.constant 0 : i32
        %dma_wait3A_212 = tpu.memref_slice %arg14[%dma_wait3A_210, %dma_wait3A_211] : memref<10240x64xf32, #tpu.memory_space<vmem_shared>> -> memref<10240x64xf32, #tpu.memory_space<vmem_shared>>
        tpu.wait_indirect_dma semaphore(%run_scoped3A_193 : memref<!tpu.dma_semaphore, #tpu.memory_space<semaphore_mem>>) src(%dma_wait3A_206 : memref<125x64xf32, #tpu.memory_space<vmem>>) dst(%dma_wait3A_212 : memref<10240x64xf32, #tpu.memory_space<vmem_shared>>)
        tpu.yield
      }) : () -> ()
      %mul3A_69 = arith.constant 80 : i32
      %mul3A_70 = arith.muli %arg0, %mul3A_69 : i32
      %ge3A = arith.cmpi sge, %add3A_54, %mul3A_70 : i32
      %add3A_71 = arith.constant 1 : i32
      %add3A_72 = arith.addi %arg0, %add3A_71 : i32
      %mul3A_73 = arith.constant 80 : i32
      %mul3A_74 = arith.muli %add3A_72, %mul3A_73 : i32
      %lt3A = arith.cmpi slt, %add3A_54, %mul3A_74 : i32
      %and3A = arith.andi %ge3A, %lt3A : i1
      %convert_element_type3A_75 = arith.extui %and3A : i1 to i32
      %cond3A_76 = arith.constant 0 : i32
      %cond3A_77 = arith.cmpi ne, %convert_element_type3A_75, %cond3A_76 : i32
      scf.if %cond3A_77 {
        %dma_start3A = arith.constant 0 : i32
        %dma_start3A_193 = tpu.memref_slice %arg10[%add3A_54, %dma_start3A] : memref<160x125xi32, #tpu.memory_space<vmem>> -> memref<1x125xi32, #tpu.memory_space<vmem>>
        %dma_start3A_194 = tpu.memref_squeeze %dma_start3A_193 : memref<1x125xi32, #tpu.memory_space<vmem>> -> memref<125xi32, #tpu.memory_space<vmem>>
        %dma_start3A_195 = arith.constant 0 : i32
        %dma_start3A_196 = arith.constant 0 : i32
        %dma_start3A_197 = tpu.memref_slice %arg15[%dma_start3A_195, %dma_start3A_196] : memref<10240x16xf32, #tpu.memory_space<vmem_shared>> -> memref<10240x16xf32, #tpu.memory_space<vmem_shared>>
        tpu.enqueue_indirect_dma source(%arg13 : memref<125x16xf32, #tpu.memory_space<vmem>>) target(%dma_start3A_197 : memref<10240x16xf32, #tpu.memory_space<vmem_shared>>) offsets(%dma_start3A_194 : memref<125xi32, #tpu.memory_space<vmem>>) semaphore(%arg17 : memref<!tpu.dma_semaphore, #tpu.memory_space<semaphore_mem>>) {add = true}
      } else {
      }
      %add3A_78 = arith.constant 4 : i32
      %add3A_79 = arith.addi %add3A_54, %add3A_78 : i32
      %lt3A_80 = arith.constant 160 : i32
      %lt3A_81 = arith.cmpi slt, %add3A_79, %lt3A_80 : i32
      %convert_element_type3A_82 = arith.extui %lt3A_81 : i1 to i32
      %cond3A_83 = arith.constant 0 : i32
      %cond3A_84 = arith.cmpi ne, %convert_element_type3A_82, %cond3A_83 : i32
      scf.if %cond3A_84 {
        %add3A_193 = arith.constant 4 : i32
        %add3A_194 = arith.addi %add3A_54, %add3A_193 : i32
        %eq3A_195 = arith.constant 0 : i32
        %eq3A_196 = arith.cmpi eq, %arg0, %eq3A_195 : i32
        %convert_element_type3A_197 = arith.extui %eq3A_196 : i1 to i32
        %cond3A_198 = arith.constant 0 : i32
        %cond3A_199 = arith.cmpi ne, %convert_element_type3A_197, %cond3A_198 : i32
        scf.if %cond3A_199 {
          %dma_start3A = arith.constant 0 : i32
          %dma_start3A_205 = arith.constant 0 : i32
          %dma_start3A_206 = arith.constant 0 : i32
          %dma_start3A_207 = arith.constant 0 : i32
          %dma_start3A_208 = tpu.memref_slice %arg12[%dma_start3A, %dma_start3A_206, %dma_start3A_207] : memref<4x125x64xf32, #tpu.memory_space<vmem>> -> memref<1x125x64xf32, #tpu.memory_space<vmem>>
          %dma_start3A_209 = tpu.memref_squeeze %dma_start3A_208 : memref<1x125x64xf32, #tpu.memory_space<vmem>> -> memref<125x64xf32, #tpu.memory_space<vmem>>
          %dma_start3A_210 = arith.constant 0 : i32
          %dma_start3A_211 = tpu.memref_slice %arg10[%add3A_194, %dma_start3A_210] : memref<160x125xi32, #tpu.memory_space<vmem>> -> memref<1x125xi32, #tpu.memory_space<vmem>>
          %dma_start3A_212 = tpu.memref_squeeze %dma_start3A_211 : memref<1x125xi32, #tpu.memory_space<vmem>> -> memref<125xi32, #tpu.memory_space<vmem>>
          %dma_start3A_213 = arith.constant 0 : i32
          %dma_start3A_214 = arith.constant 0 : i32
          %dma_start3A_215 = tpu.memref_slice %arg2[%dma_start3A_213, %dma_start3A_214] : memref<10000x64xf32, #tpu.memory_space<hbm>> -> memref<10000x64xf32, #tpu.memory_space<hbm>>
          %dma_start3A_216 = tpu.memref_slice %arg16[%dma_start3A_205] : memref<4x!tpu.dma_semaphore, #tpu.memory_space<semaphore_mem>> -> memref<1x!tpu.dma_semaphore, #tpu.memory_space<semaphore_mem>>
          %dma_start3A_217 = tpu.memref_squeeze %dma_start3A_216 : memref<1x!tpu.dma_semaphore, #tpu.memory_space<semaphore_mem>> -> memref<!tpu.dma_semaphore, #tpu.memory_space<semaphore_mem>>
          tpu.enqueue_indirect_dma source(%dma_start3A_215 : memref<10000x64xf32, #tpu.memory_space<hbm>>) target(%dma_start3A_209 : memref<125x64xf32, #tpu.memory_space<vmem>>) offsets(%dma_start3A_212 : memref<125xi32, #tpu.memory_space<vmem>>) semaphore(%dma_start3A_217 : memref<!tpu.dma_semaphore, #tpu.memory_space<semaphore_mem>>)
        } else {
        }
        %eq3A_200 = arith.constant 1 : i32
        %eq3A_201 = arith.cmpi eq, %arg0, %eq3A_200 : i32
        %convert_element_type3A_202 = arith.extui %eq3A_201 : i1 to i32
        %cond3A_203 = arith.constant 0 : i32
        %cond3A_204 = arith.cmpi ne, %convert_element_type3A_202, %cond3A_203 : i32
        scf.if %cond3A_204 {
          %dma_start3A = arith.constant 0 : i32
          %dma_start3A_205 = arith.constant 0 : i32
          %dma_start3A_206 = arith.constant 0 : i32
          %dma_start3A_207 = arith.constant 0 : i32
          %dma_start3A_208 = tpu.memref_slice %arg12[%dma_start3A, %dma_start3A_206, %dma_start3A_207] : memref<4x125x64xf32, #tpu.memory_space<vmem>> -> memref<1x125x64xf32, #tpu.memory_space<vmem>>
          %dma_start3A_209 = tpu.memref_squeeze %dma_start3A_208 : memref<1x125x64xf32, #tpu.memory_space<vmem>> -> memref<125x64xf32, #tpu.memory_space<vmem>>
          %dma_start3A_210 = arith.constant 0 : i32
          %dma_start3A_211 = tpu.memref_slice %arg10[%add3A_194, %dma_start3A_210] : memref<160x125xi32, #tpu.memory_space<vmem>> -> memref<1x125xi32, #tpu.memory_space<vmem>>
          %dma_start3A_212 = tpu.memref_squeeze %dma_start3A_211 : memref<1x125xi32, #tpu.memory_space<vmem>> -> memref<125xi32, #tpu.memory_space<vmem>>
          %dma_start3A_213 = arith.constant 0 : i32
          %dma_start3A_214 = arith.constant 0 : i32
          %dma_start3A_215 = tpu.memref_slice %arg3[%dma_start3A_213, %dma_start3A_214] : memref<10000x64xf32, #tpu.memory_space<hbm>> -> memref<10000x64xf32, #tpu.memory_space<hbm>>
          %dma_start3A_216 = tpu.memref_slice %arg16[%dma_start3A_205] : memref<4x!tpu.dma_semaphore, #tpu.memory_space<semaphore_mem>> -> memref<1x!tpu.dma_semaphore, #tpu.memory_space<semaphore_mem>>
          %dma_start3A_217 = tpu.memref_squeeze %dma_start3A_216 : memref<1x!tpu.dma_semaphore, #tpu.memory_space<semaphore_mem>> -> memref<!tpu.dma_semaphore, #tpu.memory_space<semaphore_mem>>
          tpu.enqueue_indirect_dma source(%dma_start3A_215 : memref<10000x64xf32, #tpu.memory_space<hbm>>) target(%dma_start3A_209 : memref<125x64xf32, #tpu.memory_space<vmem>>) offsets(%dma_start3A_212 : memref<125xi32, #tpu.memory_space<vmem>>) semaphore(%dma_start3A_217 : memref<!tpu.dma_semaphore, #tpu.memory_space<semaphore_mem>>)
        } else {
        }
      } else {
      }
      %add3A_85 = arith.constant 1 : i32
      %add3A_86 = arith.addi %mul3A_53, %add3A_85 : i32
      %dma_wait3A_87 = arith.constant 1 : i32
      %dma_wait3A_88 = arith.constant 1 : i32
      %dma_wait3A_89 = arith.constant 0 : i32
      %dma_wait3A_90 = arith.constant 0 : i32
      %dma_wait3A_91 = tpu.memref_slice %arg12[%dma_wait3A_87, %dma_wait3A_89, %dma_wait3A_90] : memref<4x125x64xf32, #tpu.memory_space<vmem>> -> memref<1x125x64xf32, #tpu.memory_space<vmem>>
      %dma_wait3A_92 = tpu.memref_squeeze %dma_wait3A_91 : memref<1x125x64xf32, #tpu.memory_space<vmem>> -> memref<125x64xf32, #tpu.memory_space<vmem>>
      %dma_wait3A_93 = arith.constant 0 : i32
      %dma_wait3A_94 = tpu.memref_slice %arg10[%add3A_86, %dma_wait3A_93] : memref<160x125xi32, #tpu.memory_space<vmem>> -> memref<1x125xi32, #tpu.memory_space<vmem>>
      %dma_wait3A_95 = tpu.memref_squeeze %dma_wait3A_94 : memref<1x125xi32, #tpu.memory_space<vmem>> -> memref<125xi32, #tpu.memory_space<vmem>>
      %dma_wait3A_96 = arith.constant 0 : i32
      %dma_wait3A_97 = arith.constant 0 : i32
      %dma_wait3A_98 = tpu.memref_slice %arg2[%dma_wait3A_96, %dma_wait3A_97] : memref<10000x64xf32, #tpu.memory_space<hbm>> -> memref<10000x64xf32, #tpu.memory_space<hbm>>
      %dma_wait3A_99 = tpu.memref_slice %arg16[%dma_wait3A_88] : memref<4x!tpu.dma_semaphore, #tpu.memory_space<semaphore_mem>> -> memref<1x!tpu.dma_semaphore, #tpu.memory_space<semaphore_mem>>
      %dma_wait3A_100 = tpu.memref_squeeze %dma_wait3A_99 : memref<1x!tpu.dma_semaphore, #tpu.memory_space<semaphore_mem>> -> memref<!tpu.dma_semaphore, #tpu.memory_space<semaphore_mem>>
      tpu.wait_indirect_dma semaphore(%dma_wait3A_100 : memref<!tpu.dma_semaphore, #tpu.memory_space<semaphore_mem>>) src(%dma_wait3A_98 : memref<10000x64xf32, #tpu.memory_space<hbm>>) dst(%dma_wait3A_92 : memref<125x64xf32, #tpu.memory_space<vmem>>)
      %run_scoped3A_101 = arith.constant 1 : i32
      "tpu.region"() ({
        %run_scoped3A_193 = tpu.sem_alloc : memref<!tpu.dma_semaphore, #tpu.memory_space<semaphore_mem>>
        %dma_start3A = arith.constant 0 : i32
        %dma_start3A_194 = arith.constant 0 : i32
        %dma_start3A_195 = tpu.memref_slice %arg12[%run_scoped3A_101, %dma_start3A, %dma_start3A_194] : memref<4x125x64xf32, #tpu.memory_space<vmem>> -> memref<1x125x64xf32, #tpu.memory_space<vmem>>
        %dma_start3A_196 = tpu.memref_squeeze %dma_start3A_195 : memref<1x125x64xf32, #tpu.memory_space<vmem>> -> memref<125x64xf32, #tpu.memory_space<vmem>>
        %dma_start3A_197 = arith.constant 0 : i32
        %dma_start3A_198 = tpu.memref_slice %arg11[%add3A_86, %dma_start3A_197] : memref<160x125xi32, #tpu.memory_space<vmem>> -> memref<1x125xi32, #tpu.memory_space<vmem>>
        %dma_start3A_199 = tpu.memref_squeeze %dma_start3A_198 : memref<1x125xi32, #tpu.memory_space<vmem>> -> memref<125xi32, #tpu.memory_space<vmem>>
        %dma_start3A_200 = arith.constant 0 : i32
        %dma_start3A_201 = arith.constant 0 : i32
        %dma_start3A_202 = tpu.memref_slice %arg14[%dma_start3A_200, %dma_start3A_201] : memref<10240x64xf32, #tpu.memory_space<vmem_shared>> -> memref<10240x64xf32, #tpu.memory_space<vmem_shared>>
        tpu.enqueue_indirect_dma source(%dma_start3A_196 : memref<125x64xf32, #tpu.memory_space<vmem>>) target(%dma_start3A_202 : memref<10240x64xf32, #tpu.memory_space<vmem_shared>>) offsets(%dma_start3A_199 : memref<125xi32, #tpu.memory_space<vmem>>) semaphore(%run_scoped3A_193 : memref<!tpu.dma_semaphore, #tpu.memory_space<semaphore_mem>>) {add = true}
        %dma_wait3A_203 = arith.constant 0 : i32
        %dma_wait3A_204 = arith.constant 0 : i32
        %dma_wait3A_205 = tpu.memref_slice %arg12[%run_scoped3A_101, %dma_wait3A_203, %dma_wait3A_204] : memref<4x125x64xf32, #tpu.memory_space<vmem>> -> memref<1x125x64xf32, #tpu.memory_space<vmem>>
        %dma_wait3A_206 = tpu.memref_squeeze %dma_wait3A_205 : memref<1x125x64xf32, #tpu.memory_space<vmem>> -> memref<125x64xf32, #tpu.memory_space<vmem>>
        %dma_wait3A_207 = arith.constant 0 : i32
        %dma_wait3A_208 = tpu.memref_slice %arg11[%add3A_86, %dma_wait3A_207] : memref<160x125xi32, #tpu.memory_space<vmem>> -> memref<1x125xi32, #tpu.memory_space<vmem>>
        %dma_wait3A_209 = tpu.memref_squeeze %dma_wait3A_208 : memref<1x125xi32, #tpu.memory_space<vmem>> -> memref<125xi32, #tpu.memory_space<vmem>>
        %dma_wait3A_210 = arith.constant 0 : i32
        %dma_wait3A_211 = arith.constant 0 : i32
        %dma_wait3A_212 = tpu.memref_slice %arg14[%dma_wait3A_210, %dma_wait3A_211] : memref<10240x64xf32, #tpu.memory_space<vmem_shared>> -> memref<10240x64xf32, #tpu.memory_space<vmem_shared>>
        tpu.wait_indirect_dma semaphore(%run_scoped3A_193 : memref<!tpu.dma_semaphore, #tpu.memory_space<semaphore_mem>>) src(%dma_wait3A_206 : memref<125x64xf32, #tpu.memory_space<vmem>>) dst(%dma_wait3A_212 : memref<10240x64xf32, #tpu.memory_space<vmem_shared>>)
        tpu.yield
      }) : () -> ()
      %mul3A_102 = arith.constant 80 : i32
      %mul3A_103 = arith.muli %arg0, %mul3A_102 : i32
      %ge3A_104 = arith.cmpi sge, %add3A_86, %mul3A_103 : i32
      %add3A_105 = arith.constant 1 : i32
      %add3A_106 = arith.addi %arg0, %add3A_105 : i32
      %mul3A_107 = arith.constant 80 : i32
      %mul3A_108 = arith.muli %add3A_106, %mul3A_107 : i32
      %lt3A_109 = arith.cmpi slt, %add3A_86, %mul3A_108 : i32
      %and3A_110 = arith.andi %ge3A_104, %lt3A_109 : i1
      %convert_element_type3A_111 = arith.extui %and3A_110 : i1 to i32
      %cond3A_112 = arith.constant 0 : i32
      %cond3A_113 = arith.cmpi ne, %convert_element_type3A_111, %cond3A_112 : i32
      scf.if %cond3A_113 {
        %dma_start3A = arith.constant 0 : i32
        %dma_start3A_193 = tpu.memref_slice %arg10[%add3A_86, %dma_start3A] : memref<160x125xi32, #tpu.memory_space<vmem>> -> memref<1x125xi32, #tpu.memory_space<vmem>>
        %dma_start3A_194 = tpu.memref_squeeze %dma_start3A_193 : memref<1x125xi32, #tpu.memory_space<vmem>> -> memref<125xi32, #tpu.memory_space<vmem>>
        %dma_start3A_195 = arith.constant 0 : i32
        %dma_start3A_196 = arith.constant 0 : i32
        %dma_start3A_197 = tpu.memref_slice %arg15[%dma_start3A_195, %dma_start3A_196] : memref<10240x16xf32, #tpu.memory_space<vmem_shared>> -> memref<10240x16xf32, #tpu.memory_space<vmem_shared>>
        tpu.enqueue_indirect_dma source(%arg13 : memref<125x16xf32, #tpu.memory_space<vmem>>) target(%dma_start3A_197 : memref<10240x16xf32, #tpu.memory_space<vmem_shared>>) offsets(%dma_start3A_194 : memref<125xi32, #tpu.memory_space<vmem>>) semaphore(%arg17 : memref<!tpu.dma_semaphore, #tpu.memory_space<semaphore_mem>>) {add = true}
      } else {
      }
      %add3A_114 = arith.constant 4 : i32
      %add3A_115 = arith.addi %add3A_86, %add3A_114 : i32
      %lt3A_116 = arith.constant 160 : i32
      %lt3A_117 = arith.cmpi slt, %add3A_115, %lt3A_116 : i32
      %convert_element_type3A_118 = arith.extui %lt3A_117 : i1 to i32
      %cond3A_119 = arith.constant 0 : i32
      %cond3A_120 = arith.cmpi ne, %convert_element_type3A_118, %cond3A_119 : i32
      scf.if %cond3A_120 {
        %add3A_193 = arith.constant 4 : i32
        %add3A_194 = arith.addi %add3A_86, %add3A_193 : i32
        %eq3A_195 = arith.constant 0 : i32
        %eq3A_196 = arith.cmpi eq, %arg0, %eq3A_195 : i32
        %convert_element_type3A_197 = arith.extui %eq3A_196 : i1 to i32
        %cond3A_198 = arith.constant 0 : i32
        %cond3A_199 = arith.cmpi ne, %convert_element_type3A_197, %cond3A_198 : i32
        scf.if %cond3A_199 {
          %dma_start3A = arith.constant 1 : i32
          %dma_start3A_205 = arith.constant 1 : i32
          %dma_start3A_206 = arith.constant 0 : i32
          %dma_start3A_207 = arith.constant 0 : i32
          %dma_start3A_208 = tpu.memref_slice %arg12[%dma_start3A, %dma_start3A_206, %dma_start3A_207] : memref<4x125x64xf32, #tpu.memory_space<vmem>> -> memref<1x125x64xf32, #tpu.memory_space<vmem>>
          %dma_start3A_209 = tpu.memref_squeeze %dma_start3A_208 : memref<1x125x64xf32, #tpu.memory_space<vmem>> -> memref<125x64xf32, #tpu.memory_space<vmem>>
          %dma_start3A_210 = arith.constant 0 : i32
          %dma_start3A_211 = tpu.memref_slice %arg10[%add3A_194, %dma_start3A_210] : memref<160x125xi32, #tpu.memory_space<vmem>> -> memref<1x125xi32, #tpu.memory_space<vmem>>
          %dma_start3A_212 = tpu.memref_squeeze %dma_start3A_211 : memref<1x125xi32, #tpu.memory_space<vmem>> -> memref<125xi32, #tpu.memory_space<vmem>>
          %dma_start3A_213 = arith.constant 0 : i32
          %dma_start3A_214 = arith.constant 0 : i32
          %dma_start3A_215 = tpu.memref_slice %arg2[%dma_start3A_213, %dma_start3A_214] : memref<10000x64xf32, #tpu.memory_space<hbm>> -> memref<10000x64xf32, #tpu.memory_space<hbm>>
          %dma_start3A_216 = tpu.memref_slice %arg16[%dma_start3A_205] : memref<4x!tpu.dma_semaphore, #tpu.memory_space<semaphore_mem>> -> memref<1x!tpu.dma_semaphore, #tpu.memory_space<semaphore_mem>>
          %dma_start3A_217 = tpu.memref_squeeze %dma_start3A_216 : memref<1x!tpu.dma_semaphore, #tpu.memory_space<semaphore_mem>> -> memref<!tpu.dma_semaphore, #tpu.memory_space<semaphore_mem>>
          tpu.enqueue_indirect_dma source(%dma_start3A_215 : memref<10000x64xf32, #tpu.memory_space<hbm>>) target(%dma_start3A_209 : memref<125x64xf32, #tpu.memory_space<vmem>>) offsets(%dma_start3A_212 : memref<125xi32, #tpu.memory_space<vmem>>) semaphore(%dma_start3A_217 : memref<!tpu.dma_semaphore, #tpu.memory_space<semaphore_mem>>)
        } else {
        }
        %eq3A_200 = arith.constant 1 : i32
        %eq3A_201 = arith.cmpi eq, %arg0, %eq3A_200 : i32
        %convert_element_type3A_202 = arith.extui %eq3A_201 : i1 to i32
        %cond3A_203 = arith.constant 0 : i32
        %cond3A_204 = arith.cmpi ne, %convert_element_type3A_202, %cond3A_203 : i32
        scf.if %cond3A_204 {
          %dma_start3A = arith.constant 1 : i32
          %dma_start3A_205 = arith.constant 1 : i32
          %dma_start3A_206 = arith.constant 0 : i32
          %dma_start3A_207 = arith.constant 0 : i32
          %dma_start3A_208 = tpu.memref_slice %arg12[%dma_start3A, %dma_start3A_206, %dma_start3A_207] : memref<4x125x64xf32, #tpu.memory_space<vmem>> -> memref<1x125x64xf32, #tpu.memory_space<vmem>>
          %dma_start3A_209 = tpu.memref_squeeze %dma_start3A_208 : memref<1x125x64xf32, #tpu.memory_space<vmem>> -> memref<125x64xf32, #tpu.memory_space<vmem>>
          %dma_start3A_210 = arith.constant 0 : i32
          %dma_start3A_211 = tpu.memref_slice %arg10[%add3A_194, %dma_start3A_210] : memref<160x125xi32, #tpu.memory_space<vmem>> -> memref<1x125xi32, #tpu.memory_space<vmem>>
          %dma_start3A_212 = tpu.memref_squeeze %dma_start3A_211 : memref<1x125xi32, #tpu.memory_space<vmem>> -> memref<125xi32, #tpu.memory_space<vmem>>
          %dma_start3A_213 = arith.constant 0 : i32
          %dma_start3A_214 = arith.constant 0 : i32
          %dma_start3A_215 = tpu.memref_slice %arg3[%dma_start3A_213, %dma_start3A_214] : memref<10000x64xf32, #tpu.memory_space<hbm>> -> memref<10000x64xf32, #tpu.memory_space<hbm>>
          %dma_start3A_216 = tpu.memref_slice %arg16[%dma_start3A_205] : memref<4x!tpu.dma_semaphore, #tpu.memory_space<semaphore_mem>> -> memref<1x!tpu.dma_semaphore, #tpu.memory_space<semaphore_mem>>
          %dma_start3A_217 = tpu.memref_squeeze %dma_start3A_216 : memref<1x!tpu.dma_semaphore, #tpu.memory_space<semaphore_mem>> -> memref<!tpu.dma_semaphore, #tpu.memory_space<semaphore_mem>>
          tpu.enqueue_indirect_dma source(%dma_start3A_215 : memref<10000x64xf32, #tpu.memory_space<hbm>>) target(%dma_start3A_209 : memref<125x64xf32, #tpu.memory_space<vmem>>) offsets(%dma_start3A_212 : memref<125xi32, #tpu.memory_space<vmem>>) semaphore(%dma_start3A_217 : memref<!tpu.dma_semaphore, #tpu.memory_space<semaphore_mem>>)
        } else {
        }
      } else {
      }
      %add3A_121 = arith.constant 2 : i32
      %add3A_122 = arith.addi %mul3A_53, %add3A_121 : i32
      %dma_wait3A_123 = arith.constant 2 : i32
      %dma_wait3A_124 = arith.constant 2 : i32
      %dma_wait3A_125 = arith.constant 0 : i32
      %dma_wait3A_126 = arith.constant 0 : i32
      %dma_wait3A_127 = tpu.memref_slice %arg12[%dma_wait3A_123, %dma_wait3A_125, %dma_wait3A_126] : memref<4x125x64xf32, #tpu.memory_space<vmem>> -> memref<1x125x64xf32, #tpu.memory_space<vmem>>
      %dma_wait3A_128 = tpu.memref_squeeze %dma_wait3A_127 : memref<1x125x64xf32, #tpu.memory_space<vmem>> -> memref<125x64xf32, #tpu.memory_space<vmem>>
      %dma_wait3A_129 = arith.constant 0 : i32
      %dma_wait3A_130 = tpu.memref_slice %arg10[%add3A_122, %dma_wait3A_129] : memref<160x125xi32, #tpu.memory_space<vmem>> -> memref<1x125xi32, #tpu.memory_space<vmem>>
      %dma_wait3A_131 = tpu.memref_squeeze %dma_wait3A_130 : memref<1x125xi32, #tpu.memory_space<vmem>> -> memref<125xi32, #tpu.memory_space<vmem>>
      %dma_wait3A_132 = arith.constant 0 : i32
      %dma_wait3A_133 = arith.constant 0 : i32
      %dma_wait3A_134 = tpu.memref_slice %arg2[%dma_wait3A_132, %dma_wait3A_133] : memref<10000x64xf32, #tpu.memory_space<hbm>> -> memref<10000x64xf32, #tpu.memory_space<hbm>>
      %dma_wait3A_135 = tpu.memref_slice %arg16[%dma_wait3A_124] : memref<4x!tpu.dma_semaphore, #tpu.memory_space<semaphore_mem>> -> memref<1x!tpu.dma_semaphore, #tpu.memory_space<semaphore_mem>>
      %dma_wait3A_136 = tpu.memref_squeeze %dma_wait3A_135 : memref<1x!tpu.dma_semaphore, #tpu.memory_space<semaphore_mem>> -> memref<!tpu.dma_semaphore, #tpu.memory_space<semaphore_mem>>
      tpu.wait_indirect_dma semaphore(%dma_wait3A_136 : memref<!tpu.dma_semaphore, #tpu.memory_space<semaphore_mem>>) src(%dma_wait3A_134 : memref<10000x64xf32, #tpu.memory_space<hbm>>) dst(%dma_wait3A_128 : memref<125x64xf32, #tpu.memory_space<vmem>>)
      %run_scoped3A_137 = arith.constant 2 : i32
      "tpu.region"() ({
        %run_scoped3A_193 = tpu.sem_alloc : memref<!tpu.dma_semaphore, #tpu.memory_space<semaphore_mem>>
        %dma_start3A = arith.constant 0 : i32
        %dma_start3A_194 = arith.constant 0 : i32
        %dma_start3A_195 = tpu.memref_slice %arg12[%run_scoped3A_137, %dma_start3A, %dma_start3A_194] : memref<4x125x64xf32, #tpu.memory_space<vmem>> -> memref<1x125x64xf32, #tpu.memory_space<vmem>>
        %dma_start3A_196 = tpu.memref_squeeze %dma_start3A_195 : memref<1x125x64xf32, #tpu.memory_space<vmem>> -> memref<125x64xf32, #tpu.memory_space<vmem>>
        %dma_start3A_197 = arith.constant 0 : i32
        %dma_start3A_198 = tpu.memref_slice %arg11[%add3A_122, %dma_start3A_197] : memref<160x125xi32, #tpu.memory_space<vmem>> -> memref<1x125xi32, #tpu.memory_space<vmem>>
        %dma_start3A_199 = tpu.memref_squeeze %dma_start3A_198 : memref<1x125xi32, #tpu.memory_space<vmem>> -> memref<125xi32, #tpu.memory_space<vmem>>
        %dma_start3A_200 = arith.constant 0 : i32
        %dma_start3A_201 = arith.constant 0 : i32
        %dma_start3A_202 = tpu.memref_slice %arg14[%dma_start3A_200, %dma_start3A_201] : memref<10240x64xf32, #tpu.memory_space<vmem_shared>> -> memref<10240x64xf32, #tpu.memory_space<vmem_shared>>
        tpu.enqueue_indirect_dma source(%dma_start3A_196 : memref<125x64xf32, #tpu.memory_space<vmem>>) target(%dma_start3A_202 : memref<10240x64xf32, #tpu.memory_space<vmem_shared>>) offsets(%dma_start3A_199 : memref<125xi32, #tpu.memory_space<vmem>>) semaphore(%run_scoped3A_193 : memref<!tpu.dma_semaphore, #tpu.memory_space<semaphore_mem>>) {add = true}
        %dma_wait3A_203 = arith.constant 0 : i32
        %dma_wait3A_204 = arith.constant 0 : i32
        %dma_wait3A_205 = tpu.memref_slice %arg12[%run_scoped3A_137, %dma_wait3A_203, %dma_wait3A_204] : memref<4x125x64xf32, #tpu.memory_space<vmem>> -> memref<1x125x64xf32, #tpu.memory_space<vmem>>
        %dma_wait3A_206 = tpu.memref_squeeze %dma_wait3A_205 : memref<1x125x64xf32, #tpu.memory_space<vmem>> -> memref<125x64xf32, #tpu.memory_space<vmem>>
        %dma_wait3A_207 = arith.constant 0 : i32
        %dma_wait3A_208 = tpu.memref_slice %arg11[%add3A_122, %dma_wait3A_207] : memref<160x125xi32, #tpu.memory_space<vmem>> -> memref<1x125xi32, #tpu.memory_space<vmem>>
        %dma_wait3A_209 = tpu.memref_squeeze %dma_wait3A_208 : memref<1x125xi32, #tpu.memory_space<vmem>> -> memref<125xi32, #tpu.memory_space<vmem>>
        %dma_wait3A_210 = arith.constant 0 : i32
        %dma_wait3A_211 = arith.constant 0 : i32
        %dma_wait3A_212 = tpu.memref_slice %arg14[%dma_wait3A_210, %dma_wait3A_211] : memref<10240x64xf32, #tpu.memory_space<vmem_shared>> -> memref<10240x64xf32, #tpu.memory_space<vmem_shared>>
        tpu.wait_indirect_dma semaphore(%run_scoped3A_193 : memref<!tpu.dma_semaphore, #tpu.memory_space<semaphore_mem>>) src(%dma_wait3A_206 : memref<125x64xf32, #tpu.memory_space<vmem>>) dst(%dma_wait3A_212 : memref<10240x64xf32, #tpu.memory_space<vmem_shared>>)
        tpu.yield
      }) : () -> ()
      %mul3A_138 = arith.constant 80 : i32
      %mul3A_139 = arith.muli %arg0, %mul3A_138 : i32
      %ge3A_140 = arith.cmpi sge, %add3A_122, %mul3A_139 : i32
      %add3A_141 = arith.constant 1 : i32
      %add3A_142 = arith.addi %arg0, %add3A_141 : i32
      %mul3A_143 = arith.constant 80 : i32
      %mul3A_144 = arith.muli %add3A_142, %mul3A_143 : i32
      %lt3A_145 = arith.cmpi slt, %add3A_122, %mul3A_144 : i32
      %and3A_146 = arith.andi %ge3A_140, %lt3A_145 : i1
      %convert_element_type3A_147 = arith.extui %and3A_146 : i1 to i32
      %cond3A_148 = arith.constant 0 : i32
      %cond3A_149 = arith.cmpi ne, %convert_element_type3A_147, %cond3A_148 : i32
      scf.if %cond3A_149 {
        %dma_start3A = arith.constant 0 : i32
        %dma_start3A_193 = tpu.memref_slice %arg10[%add3A_122, %dma_start3A] : memref<160x125xi32, #tpu.memory_space<vmem>> -> memref<1x125xi32, #tpu.memory_space<vmem>>
        %dma_start3A_194 = tpu.memref_squeeze %dma_start3A_193 : memref<1x125xi32, #tpu.memory_space<vmem>> -> memref<125xi32, #tpu.memory_space<vmem>>
        %dma_start3A_195 = arith.constant 0 : i32
        %dma_start3A_196 = arith.constant 0 : i32
        %dma_start3A_197 = tpu.memref_slice %arg15[%dma_start3A_195, %dma_start3A_196] : memref<10240x16xf32, #tpu.memory_space<vmem_shared>> -> memref<10240x16xf32, #tpu.memory_space<vmem_shared>>
        tpu.enqueue_indirect_dma source(%arg13 : memref<125x16xf32, #tpu.memory_space<vmem>>) target(%dma_start3A_197 : memref<10240x16xf32, #tpu.memory_space<vmem_shared>>) offsets(%dma_start3A_194 : memref<125xi32, #tpu.memory_space<vmem>>) semaphore(%arg17 : memref<!tpu.dma_semaphore, #tpu.memory_space<semaphore_mem>>) {add = true}
      } else {
      }
      %add3A_150 = arith.constant 4 : i32
      %add3A_151 = arith.addi %add3A_122, %add3A_150 : i32
      %lt3A_152 = arith.constant 160 : i32
      %lt3A_153 = arith.cmpi slt, %add3A_151, %lt3A_152 : i32
      %convert_element_type3A_154 = arith.extui %lt3A_153 : i1 to i32
      %cond3A_155 = arith.constant 0 : i32
      %cond3A_156 = arith.cmpi ne, %convert_element_type3A_154, %cond3A_155 : i32
      scf.if %cond3A_156 {
        %add3A_193 = arith.constant 4 : i32
        %add3A_194 = arith.addi %add3A_122, %add3A_193 : i32
        %eq3A_195 = arith.constant 0 : i32
        %eq3A_196 = arith.cmpi eq, %arg0, %eq3A_195 : i32
        %convert_element_type3A_197 = arith.extui %eq3A_196 : i1 to i32
        %cond3A_198 = arith.constant 0 : i32
        %cond3A_199 = arith.cmpi ne, %convert_element_type3A_197, %cond3A_198 : i32
        scf.if %cond3A_199 {
          %dma_start3A = arith.constant 2 : i32
          %dma_start3A_205 = arith.constant 2 : i32
          %dma_start3A_206 = arith.constant 0 : i32
          %dma_start3A_207 = arith.constant 0 : i32
          %dma_start3A_208 = tpu.memref_slice %arg12[%dma_start3A, %dma_start3A_206, %dma_start3A_207] : memref<4x125x64xf32, #tpu.memory_space<vmem>> -> memref<1x125x64xf32, #tpu.memory_space<vmem>>
          %dma_start3A_209 = tpu.memref_squeeze %dma_start3A_208 : memref<1x125x64xf32, #tpu.memory_space<vmem>> -> memref<125x64xf32, #tpu.memory_space<vmem>>
          %dma_start3A_210 = arith.constant 0 : i32
          %dma_start3A_211 = tpu.memref_slice %arg10[%add3A_194, %dma_start3A_210] : memref<160x125xi32, #tpu.memory_space<vmem>> -> memref<1x125xi32, #tpu.memory_space<vmem>>
          %dma_start3A_212 = tpu.memref_squeeze %dma_start3A_211 : memref<1x125xi32, #tpu.memory_space<vmem>> -> memref<125xi32, #tpu.memory_space<vmem>>
          %dma_start3A_213 = arith.constant 0 : i32
          %dma_start3A_214 = arith.constant 0 : i32
          %dma_start3A_215 = tpu.memref_slice %arg2[%dma_start3A_213, %dma_start3A_214] : memref<10000x64xf32, #tpu.memory_space<hbm>> -> memref<10000x64xf32, #tpu.memory_space<hbm>>
          %dma_start3A_216 = tpu.memref_slice %arg16[%dma_start3A_205] : memref<4x!tpu.dma_semaphore, #tpu.memory_space<semaphore_mem>> -> memref<1x!tpu.dma_semaphore, #tpu.memory_space<semaphore_mem>>
          %dma_start3A_217 = tpu.memref_squeeze %dma_start3A_216 : memref<1x!tpu.dma_semaphore, #tpu.memory_space<semaphore_mem>> -> memref<!tpu.dma_semaphore, #tpu.memory_space<semaphore_mem>>
          tpu.enqueue_indirect_dma source(%dma_start3A_215 : memref<10000x64xf32, #tpu.memory_space<hbm>>) target(%dma_start3A_209 : memref<125x64xf32, #tpu.memory_space<vmem>>) offsets(%dma_start3A_212 : memref<125xi32, #tpu.memory_space<vmem>>) semaphore(%dma_start3A_217 : memref<!tpu.dma_semaphore, #tpu.memory_space<semaphore_mem>>)
        } else {
        }
        %eq3A_200 = arith.constant 1 : i32
        %eq3A_201 = arith.cmpi eq, %arg0, %eq3A_200 : i32
        %convert_element_type3A_202 = arith.extui %eq3A_201 : i1 to i32
        %cond3A_203 = arith.constant 0 : i32
        %cond3A_204 = arith.cmpi ne, %convert_element_type3A_202, %cond3A_203 : i32
        scf.if %cond3A_204 {
          %dma_start3A = arith.constant 2 : i32
          %dma_start3A_205 = arith.constant 2 : i32
          %dma_start3A_206 = arith.constant 0 : i32
          %dma_start3A_207 = arith.constant 0 : i32
          %dma_start3A_208 = tpu.memref_slice %arg12[%dma_start3A, %dma_start3A_206, %dma_start3A_207] : memref<4x125x64xf32, #tpu.memory_space<vmem>> -> memref<1x125x64xf32, #tpu.memory_space<vmem>>
          %dma_start3A_209 = tpu.memref_squeeze %dma_start3A_208 : memref<1x125x64xf32, #tpu.memory_space<vmem>> -> memref<125x64xf32, #tpu.memory_space<vmem>>
          %dma_start3A_210 = arith.constant 0 : i32
          %dma_start3A_211 = tpu.memref_slice %arg10[%add3A_194, %dma_start3A_210] : memref<160x125xi32, #tpu.memory_space<vmem>> -> memref<1x125xi32, #tpu.memory_space<vmem>>
          %dma_start3A_212 = tpu.memref_squeeze %dma_start3A_211 : memref<1x125xi32, #tpu.memory_space<vmem>> -> memref<125xi32, #tpu.memory_space<vmem>>
          %dma_start3A_213 = arith.constant 0 : i32
          %dma_start3A_214 = arith.constant 0 : i32
          %dma_start3A_215 = tpu.memref_slice %arg3[%dma_start3A_213, %dma_start3A_214] : memref<10000x64xf32, #tpu.memory_space<hbm>> -> memref<10000x64xf32, #tpu.memory_space<hbm>>
          %dma_start3A_216 = tpu.memref_slice %arg16[%dma_start3A_205] : memref<4x!tpu.dma_semaphore, #tpu.memory_space<semaphore_mem>> -> memref<1x!tpu.dma_semaphore, #tpu.memory_space<semaphore_mem>>
          %dma_start3A_217 = tpu.memref_squeeze %dma_start3A_216 : memref<1x!tpu.dma_semaphore, #tpu.memory_space<semaphore_mem>> -> memref<!tpu.dma_semaphore, #tpu.memory_space<semaphore_mem>>
          tpu.enqueue_indirect_dma source(%dma_start3A_215 : memref<10000x64xf32, #tpu.memory_space<hbm>>) target(%dma_start3A_209 : memref<125x64xf32, #tpu.memory_space<vmem>>) offsets(%dma_start3A_212 : memref<125xi32, #tpu.memory_space<vmem>>) semaphore(%dma_start3A_217 : memref<!tpu.dma_semaphore, #tpu.memory_space<semaphore_mem>>)
        } else {
        }
      } else {
      }
      %add3A_157 = arith.constant 3 : i32
      %add3A_158 = arith.addi %mul3A_53, %add3A_157 : i32
      %dma_wait3A_159 = arith.constant 3 : i32
      %dma_wait3A_160 = arith.constant 3 : i32
      %dma_wait3A_161 = arith.constant 0 : i32
      %dma_wait3A_162 = arith.constant 0 : i32
      %dma_wait3A_163 = tpu.memref_slice %arg12[%dma_wait3A_159, %dma_wait3A_161, %dma_wait3A_162] : memref<4x125x64xf32, #tpu.memory_space<vmem>> -> memref<1x125x64xf32, #tpu.memory_space<vmem>>
      %dma_wait3A_164 = tpu.memref_squeeze %dma_wait3A_163 : memref<1x125x64xf32, #tpu.memory_space<vmem>> -> memref<125x64xf32, #tpu.memory_space<vmem>>
      %dma_wait3A_165 = arith.constant 0 : i32
      %dma_wait3A_166 = tpu.memref_slice %arg10[%add3A_158, %dma_wait3A_165] : memref<160x125xi32, #tpu.memory_space<vmem>> -> memref<1x125xi32, #tpu.memory_space<vmem>>
      %dma_wait3A_167 = tpu.memref_squeeze %dma_wait3A_166 : memref<1x125xi32, #tpu.memory_space<vmem>> -> memref<125xi32, #tpu.memory_space<vmem>>
      %dma_wait3A_168 = arith.constant 0 : i32
      %dma_wait3A_169 = arith.constant 0 : i32
      %dma_wait3A_170 = tpu.memref_slice %arg2[%dma_wait3A_168, %dma_wait3A_169] : memref<10000x64xf32, #tpu.memory_space<hbm>> -> memref<10000x64xf32, #tpu.memory_space<hbm>>
      %dma_wait3A_171 = tpu.memref_slice %arg16[%dma_wait3A_160] : memref<4x!tpu.dma_semaphore, #tpu.memory_space<semaphore_mem>> -> memref<1x!tpu.dma_semaphore, #tpu.memory_space<semaphore_mem>>
      %dma_wait3A_172 = tpu.memref_squeeze %dma_wait3A_171 : memref<1x!tpu.dma_semaphore, #tpu.memory_space<semaphore_mem>> -> memref<!tpu.dma_semaphore, #tpu.memory_space<semaphore_mem>>
      tpu.wait_indirect_dma semaphore(%dma_wait3A_172 : memref<!tpu.dma_semaphore, #tpu.memory_space<semaphore_mem>>) src(%dma_wait3A_170 : memref<10000x64xf32, #tpu.memory_space<hbm>>) dst(%dma_wait3A_164 : memref<125x64xf32, #tpu.memory_space<vmem>>)
      %run_scoped3A_173 = arith.constant 3 : i32
      "tpu.region"() ({
        %run_scoped3A_193 = tpu.sem_alloc : memref<!tpu.dma_semaphore, #tpu.memory_space<semaphore_mem>>
        %dma_start3A = arith.constant 0 : i32
        %dma_start3A_194 = arith.constant 0 : i32
        %dma_start3A_195 = tpu.memref_slice %arg12[%run_scoped3A_173, %dma_start3A, %dma_start3A_194] : memref<4x125x64xf32, #tpu.memory_space<vmem>> -> memref<1x125x64xf32, #tpu.memory_space<vmem>>
        %dma_start3A_196 = tpu.memref_squeeze %dma_start3A_195 : memref<1x125x64xf32, #tpu.memory_space<vmem>> -> memref<125x64xf32, #tpu.memory_space<vmem>>
        %dma_start3A_197 = arith.constant 0 : i32
        %dma_start3A_198 = tpu.memref_slice %arg11[%add3A_158, %dma_start3A_197] : memref<160x125xi32, #tpu.memory_space<vmem>> -> memref<1x125xi32, #tpu.memory_space<vmem>>
        %dma_start3A_199 = tpu.memref_squeeze %dma_start3A_198 : memref<1x125xi32, #tpu.memory_space<vmem>> -> memref<125xi32, #tpu.memory_space<vmem>>
        %dma_start3A_200 = arith.constant 0 : i32
        %dma_start3A_201 = arith.constant 0 : i32
        %dma_start3A_202 = tpu.memref_slice %arg14[%dma_start3A_200, %dma_start3A_201] : memref<10240x64xf32, #tpu.memory_space<vmem_shared>> -> memref<10240x64xf32, #tpu.memory_space<vmem_shared>>
        tpu.enqueue_indirect_dma source(%dma_start3A_196 : memref<125x64xf32, #tpu.memory_space<vmem>>) target(%dma_start3A_202 : memref<10240x64xf32, #tpu.memory_space<vmem_shared>>) offsets(%dma_start3A_199 : memref<125xi32, #tpu.memory_space<vmem>>) semaphore(%run_scoped3A_193 : memref<!tpu.dma_semaphore, #tpu.memory_space<semaphore_mem>>) {add = true}
        %dma_wait3A_203 = arith.constant 0 : i32
        %dma_wait3A_204 = arith.constant 0 : i32
        %dma_wait3A_205 = tpu.memref_slice %arg12[%run_scoped3A_173, %dma_wait3A_203, %dma_wait3A_204] : memref<4x125x64xf32, #tpu.memory_space<vmem>> -> memref<1x125x64xf32, #tpu.memory_space<vmem>>
        %dma_wait3A_206 = tpu.memref_squeeze %dma_wait3A_205 : memref<1x125x64xf32, #tpu.memory_space<vmem>> -> memref<125x64xf32, #tpu.memory_space<vmem>>
        %dma_wait3A_207 = arith.constant 0 : i32
        %dma_wait3A_208 = tpu.memref_slice %arg11[%add3A_158, %dma_wait3A_207] : memref<160x125xi32, #tpu.memory_space<vmem>> -> memref<1x125xi32, #tpu.memory_space<vmem>>
        %dma_wait3A_209 = tpu.memref_squeeze %dma_wait3A_208 : memref<1x125xi32, #tpu.memory_space<vmem>> -> memref<125xi32, #tpu.memory_space<vmem>>
        %dma_wait3A_210 = arith.constant 0 : i32
        %dma_wait3A_211 = arith.constant 0 : i32
        %dma_wait3A_212 = tpu.memref_slice %arg14[%dma_wait3A_210, %dma_wait3A_211] : memref<10240x64xf32, #tpu.memory_space<vmem_shared>> -> memref<10240x64xf32, #tpu.memory_space<vmem_shared>>
        tpu.wait_indirect_dma semaphore(%run_scoped3A_193 : memref<!tpu.dma_semaphore, #tpu.memory_space<semaphore_mem>>) src(%dma_wait3A_206 : memref<125x64xf32, #tpu.memory_space<vmem>>) dst(%dma_wait3A_212 : memref<10240x64xf32, #tpu.memory_space<vmem_shared>>)
        tpu.yield
      }) : () -> ()
      %mul3A_174 = arith.constant 80 : i32
      %mul3A_175 = arith.muli %arg0, %mul3A_174 : i32
      %ge3A_176 = arith.cmpi sge, %add3A_158, %mul3A_175 : i32
      %add3A_177 = arith.constant 1 : i32
      %add3A_178 = arith.addi %arg0, %add3A_177 : i32
      %mul3A_179 = arith.constant 80 : i32
      %mul3A_180 = arith.muli %add3A_178, %mul3A_179 : i32
      %lt3A_181 = arith.cmpi slt, %add3A_158, %mul3A_180 : i32
      %and3A_182 = arith.andi %ge3A_176, %lt3A_181 : i1
      %convert_element_type3A_183 = arith.extui %and3A_182 : i1 to i32
      %cond3A_184 = arith.constant 0 : i32
      %cond3A_185 = arith.cmpi ne, %convert_element_type3A_183, %cond3A_184 : i32
      scf.if %cond3A_185 {
        %dma_start3A = arith.constant 0 : i32
        %dma_start3A_193 = tpu.memref_slice %arg10[%add3A_158, %dma_start3A] : memref<160x125xi32, #tpu.memory_space<vmem>> -> memref<1x125xi32, #tpu.memory_space<vmem>>
        %dma_start3A_194 = tpu.memref_squeeze %dma_start3A_193 : memref<1x125xi32, #tpu.memory_space<vmem>> -> memref<125xi32, #tpu.memory_space<vmem>>
        %dma_start3A_195 = arith.constant 0 : i32
        %dma_start3A_196 = arith.constant 0 : i32
        %dma_start3A_197 = tpu.memref_slice %arg15[%dma_start3A_195, %dma_start3A_196] : memref<10240x16xf32, #tpu.memory_space<vmem_shared>> -> memref<10240x16xf32, #tpu.memory_space<vmem_shared>>
        tpu.enqueue_indirect_dma source(%arg13 : memref<125x16xf32, #tpu.memory_space<vmem>>) target(%dma_start3A_197 : memref<10240x16xf32, #tpu.memory_space<vmem_shared>>) offsets(%dma_start3A_194 : memref<125xi32, #tpu.memory_space<vmem>>) semaphore(%arg17 : memref<!tpu.dma_semaphore, #tpu.memory_space<semaphore_mem>>) {add = true}
      } else {
      }
      %add3A_186 = arith.constant 4 : i32
      %add3A_187 = arith.addi %add3A_158, %add3A_186 : i32
      %lt3A_188 = arith.constant 160 : i32
      %lt3A_189 = arith.cmpi slt, %add3A_187, %lt3A_188 : i32
      %convert_element_type3A_190 = arith.extui %lt3A_189 : i1 to i32
      %cond3A_191 = arith.constant 0 : i32
      %cond3A_192 = arith.cmpi ne, %convert_element_type3A_190, %cond3A_191 : i32
      scf.if %cond3A_192 {
        %add3A_193 = arith.constant 4 : i32
        %add3A_194 = arith.addi %add3A_158, %add3A_193 : i32
        %eq3A_195 = arith.constant 0 : i32
        %eq3A_196 = arith.cmpi eq, %arg0, %eq3A_195 : i32
        %convert_element_type3A_197 = arith.extui %eq3A_196 : i1 to i32
        %cond3A_198 = arith.constant 0 : i32
        %cond3A_199 = arith.cmpi ne, %convert_element_type3A_197, %cond3A_198 : i32
        scf.if %cond3A_199 {
          %dma_start3A = arith.constant 3 : i32
          %dma_start3A_205 = arith.constant 3 : i32
          %dma_start3A_206 = arith.constant 0 : i32
          %dma_start3A_207 = arith.constant 0 : i32
          %dma_start3A_208 = tpu.memref_slice %arg12[%dma_start3A, %dma_start3A_206, %dma_start3A_207] : memref<4x125x64xf32, #tpu.memory_space<vmem>> -> memref<1x125x64xf32, #tpu.memory_space<vmem>>
          %dma_start3A_209 = tpu.memref_squeeze %dma_start3A_208 : memref<1x125x64xf32, #tpu.memory_space<vmem>> -> memref<125x64xf32, #tpu.memory_space<vmem>>
          %dma_start3A_210 = arith.constant 0 : i32
          %dma_start3A_211 = tpu.memref_slice %arg10[%add3A_194, %dma_start3A_210] : memref<160x125xi32, #tpu.memory_space<vmem>> -> memref<1x125xi32, #tpu.memory_space<vmem>>
          %dma_start3A_212 = tpu.memref_squeeze %dma_start3A_211 : memref<1x125xi32, #tpu.memory_space<vmem>> -> memref<125xi32, #tpu.memory_space<vmem>>
          %dma_start3A_213 = arith.constant 0 : i32
          %dma_start3A_214 = arith.constant 0 : i32
          %dma_start3A_215 = tpu.memref_slice %arg2[%dma_start3A_213, %dma_start3A_214] : memref<10000x64xf32, #tpu.memory_space<hbm>> -> memref<10000x64xf32, #tpu.memory_space<hbm>>
          %dma_start3A_216 = tpu.memref_slice %arg16[%dma_start3A_205] : memref<4x!tpu.dma_semaphore, #tpu.memory_space<semaphore_mem>> -> memref<1x!tpu.dma_semaphore, #tpu.memory_space<semaphore_mem>>
          %dma_start3A_217 = tpu.memref_squeeze %dma_start3A_216 : memref<1x!tpu.dma_semaphore, #tpu.memory_space<semaphore_mem>> -> memref<!tpu.dma_semaphore, #tpu.memory_space<semaphore_mem>>
          tpu.enqueue_indirect_dma source(%dma_start3A_215 : memref<10000x64xf32, #tpu.memory_space<hbm>>) target(%dma_start3A_209 : memref<125x64xf32, #tpu.memory_space<vmem>>) offsets(%dma_start3A_212 : memref<125xi32, #tpu.memory_space<vmem>>) semaphore(%dma_start3A_217 : memref<!tpu.dma_semaphore, #tpu.memory_space<semaphore_mem>>)
        } else {
        }
        %eq3A_200 = arith.constant 1 : i32
        %eq3A_201 = arith.cmpi eq, %arg0, %eq3A_200 : i32
        %convert_element_type3A_202 = arith.extui %eq3A_201 : i1 to i32
        %cond3A_203 = arith.constant 0 : i32
        %cond3A_204 = arith.cmpi ne, %convert_element_type3A_202, %cond3A_203 : i32
        scf.if %cond3A_204 {
          %dma_start3A = arith.constant 3 : i32
          %dma_start3A_205 = arith.constant 3 : i32
          %dma_start3A_206 = arith.constant 0 : i32
          %dma_start3A_207 = arith.constant 0 : i32
          %dma_start3A_208 = tpu.memref_slice %arg12[%dma_start3A, %dma_start3A_206, %dma_start3A_207] : memref<4x125x64xf32, #tpu.memory_space<vmem>> -> memref<1x125x64xf32, #tpu.memory_space<vmem>>
          %dma_start3A_209 = tpu.memref_squeeze %dma_start3A_208 : memref<1x125x64xf32, #tpu.memory_space<vmem>> -> memref<125x64xf32, #tpu.memory_space<vmem>>
          %dma_start3A_210 = arith.constant 0 : i32
          %dma_start3A_211 = tpu.memref_slice %arg10[%add3A_194, %dma_start3A_210] : memref<160x125xi32, #tpu.memory_space<vmem>> -> memref<1x125xi32, #tpu.memory_space<vmem>>
          %dma_start3A_212 = tpu.memref_squeeze %dma_start3A_211 : memref<1x125xi32, #tpu.memory_space<vmem>> -> memref<125xi32, #tpu.memory_space<vmem>>
          %dma_start3A_213 = arith.constant 0 : i32
          %dma_start3A_214 = arith.constant 0 : i32
          %dma_start3A_215 = tpu.memref_slice %arg3[%dma_start3A_213, %dma_start3A_214] : memref<10000x64xf32, #tpu.memory_space<hbm>> -> memref<10000x64xf32, #tpu.memory_space<hbm>>
          %dma_start3A_216 = tpu.memref_slice %arg16[%dma_start3A_205] : memref<4x!tpu.dma_semaphore, #tpu.memory_space<semaphore_mem>> -> memref<1x!tpu.dma_semaphore, #tpu.memory_space<semaphore_mem>>
          %dma_start3A_217 = tpu.memref_squeeze %dma_start3A_216 : memref<1x!tpu.dma_semaphore, #tpu.memory_space<semaphore_mem>> -> memref<!tpu.dma_semaphore, #tpu.memory_space<semaphore_mem>>
          tpu.enqueue_indirect_dma source(%dma_start3A_215 : memref<10000x64xf32, #tpu.memory_space<hbm>>) target(%dma_start3A_209 : memref<125x64xf32, #tpu.memory_space<vmem>>) offsets(%dma_start3A_212 : memref<125xi32, #tpu.memory_space<vmem>>) semaphore(%dma_start3A_217 : memref<!tpu.dma_semaphore, #tpu.memory_space<semaphore_mem>>)
        } else {
        }
      } else {
      }
    }
    %scan3A_43 = arith.constant 40 : i32
    %scan3A_44 = arith.constant 0 : i32
    %scan3A_45 = arith.constant 0 : i32
    %scan3A_46 = arith.constant 80 : i32
    %scan3A_47 = arith.addi %scan3A_45, %scan3A_46 : i32
    %scan3A_48 = arith.constant 1 : i32
    scf.for %scan3A_51 = %scan3A_45 to %scan3A_47 step %scan3A_48  : i32 {
      %dma_wait3A = arith.constant 0 : i32
      %dma_wait3A_52 = arith.constant 0 : i32
      %dma_wait3A_53 = tpu.memref_slice %arg10[%dma_wait3A, %dma_wait3A_52] : memref<160x125xi32, #tpu.memory_space<vmem>> -> memref<1x125xi32, #tpu.memory_space<vmem>>
      %dma_wait3A_54 = tpu.memref_squeeze %dma_wait3A_53 : memref<1x125xi32, #tpu.memory_space<vmem>> -> memref<125xi32, #tpu.memory_space<vmem>>
      %dma_wait3A_55 = arith.constant 0 : i32
      %dma_wait3A_56 = arith.constant 0 : i32
      %dma_wait3A_57 = tpu.memref_slice %arg15[%dma_wait3A_55, %dma_wait3A_56] : memref<10240x16xf32, #tpu.memory_space<vmem_shared>> -> memref<10240x16xf32, #tpu.memory_space<vmem_shared>>
      tpu.wait_indirect_dma semaphore(%arg17 : memref<!tpu.dma_semaphore, #tpu.memory_space<semaphore_mem>>) src(%arg13 : memref<125x16xf32, #tpu.memory_space<vmem>>) dst(%dma_wait3A_57 : memref<10240x16xf32, #tpu.memory_space<vmem_shared>>)
    }
    %scan3A_49 = arith.constant 80 : i32
    %barrier3A_50 = arith.constant 0 : index
    tpu.barrier barrier_id(%barrier3A_50)
    "tpu.region"() ({
      %run_scoped3A_51 = tpu.sem_alloc : memref<!tpu.dma_semaphore, #tpu.memory_space<semaphore_mem>>
      %dma_start3A = arith.constant 0 : i32
      %dma_start3A_52 = tpu.memref_slice %arg8[%arg0, %mul3A_0, %dma_start3A] : memref<2x10240x64xf32, #tpu.memory_space<hbm>> -> memref<1x640x64xf32, #tpu.memory_space<hbm>>
      %dma_start3A_53 = tpu.memref_squeeze %dma_start3A_52 : memref<1x640x64xf32, #tpu.memory_space<hbm>> -> memref<640x64xf32, #tpu.memory_space<hbm>>
      %dma_start3A_54 = arith.constant 0 : i32
      %dma_start3A_55 = tpu.memref_slice %arg14[%mul3A_0, %dma_start3A_54] : memref<10240x64xf32, #tpu.memory_space<vmem_shared>> -> memref<640x64xf32, #tpu.memory_space<vmem_shared>>
      tpu.enqueue_dma source(%dma_start3A_55 : memref<640x64xf32, #tpu.memory_space<vmem_shared>>) target(%dma_start3A_53 : memref<640x64xf32, #tpu.memory_space<hbm>>) target_semaphore(%run_scoped3A_51 : memref<!tpu.dma_semaphore, #tpu.memory_space<semaphore_mem>>)
      %dma_wait3A = arith.constant 0 : i32
      %dma_wait3A_56 = tpu.memref_slice %arg8[%arg0, %mul3A_0, %dma_wait3A] : memref<2x10240x64xf32, #tpu.memory_space<hbm>> -> memref<1x640x64xf32, #tpu.memory_space<hbm>>
      %dma_wait3A_57 = tpu.memref_squeeze %dma_wait3A_56 : memref<1x640x64xf32, #tpu.memory_space<hbm>> -> memref<640x64xf32, #tpu.memory_space<hbm>>
      %dma_wait3A_58 = arith.constant 0 : i32
      %dma_wait3A_59 = tpu.memref_slice %arg14[%mul3A_0, %dma_wait3A_58] : memref<10240x64xf32, #tpu.memory_space<vmem_shared>> -> memref<640x64xf32, #tpu.memory_space<vmem_shared>>
      tpu.wait_dma2 semaphore(%run_scoped3A_51 : memref<!tpu.dma_semaphore, #tpu.memory_space<semaphore_mem>>) src(%dma_wait3A_59 : memref<640x64xf32, #tpu.memory_space<vmem_shared>>) dst(%dma_wait3A_57 : memref<640x64xf32, #tpu.memory_space<hbm>>)
      tpu.yield
    }) : () -> ()
    "tpu.region"() ({
      %run_scoped3A_51 = tpu.sem_alloc : memref<!tpu.dma_semaphore, #tpu.memory_space<semaphore_mem>>
      %dma_start3A = arith.constant 0 : i32
      %dma_start3A_52 = tpu.memref_slice %arg9[%arg0, %mul3A_0, %dma_start3A] : memref<2x10240x16xf32, #tpu.memory_space<hbm>> -> memref<1x640x16xf32, #tpu.memory_space<hbm>>
      %dma_start3A_53 = tpu.memref_squeeze %dma_start3A_52 : memref<1x640x16xf32, #tpu.memory_space<hbm>> -> memref<640x16xf32, #tpu.memory_space<hbm>>
      %dma_start3A_54 = arith.constant 0 : i32
      %dma_start3A_55 = tpu.memref_slice %arg15[%mul3A_0, %dma_start3A_54] : memref<10240x16xf32, #tpu.memory_space<vmem_shared>> -> memref<640x16xf32, #tpu.memory_space<vmem_shared>>
      tpu.enqueue_dma source(%dma_start3A_55 : memref<640x16xf32, #tpu.memory_space<vmem_shared>>) target(%dma_start3A_53 : memref<640x16xf32, #tpu.memory_space<hbm>>) target_semaphore(%run_scoped3A_51 : memref<!tpu.dma_semaphore, #tpu.memory_space<semaphore_mem>>)
      %dma_wait3A = arith.constant 0 : i32
      %dma_wait3A_56 = tpu.memref_slice %arg9[%arg0, %mul3A_0, %dma_wait3A] : memref<2x10240x16xf32, #tpu.memory_space<hbm>> -> memref<1x640x16xf32, #tpu.memory_space<hbm>>
      %dma_wait3A_57 = tpu.memref_squeeze %dma_wait3A_56 : memref<1x640x16xf32, #tpu.memory_space<hbm>> -> memref<640x16xf32, #tpu.memory_space<hbm>>
      %dma_wait3A_58 = arith.constant 0 : i32
      %dma_wait3A_59 = tpu.memref_slice %arg15[%mul3A_0, %dma_wait3A_58] : memref<10240x16xf32, #tpu.memory_space<vmem_shared>> -> memref<640x16xf32, #tpu.memory_space<vmem_shared>>
      tpu.wait_dma2 semaphore(%run_scoped3A_51 : memref<!tpu.dma_semaphore, #tpu.memory_space<semaphore_mem>>) src(%dma_wait3A_59 : memref<640x16xf32, #tpu.memory_space<vmem_shared>>) dst(%dma_wait3A_57 : memref<640x16xf32, #tpu.memory_space<hbm>>)
      tpu.yield
    }) : () -> ()
    return
  }
}

</mosaic_0001>

<sc_bundles>
// kernel: _sc_scatter.3.cloned.1.call-start
scs
__scs_entry_jumppad:
0x0: {  	(pc) =	sbr.rel $0x88, $3  }
0x1: {  	(tag) =	ssettag $0x0;
	lr =	simm.s32 $0x1  }
0x2: {  	[smem:$0x3F9B] =	sst lr;
	_ =	strace $0xD0000000  }
0x3: {  	_ = 	snop  }
0x4: {  	_ = 	snop  }
0x5: {  	_ = 	snop  }
0x6: {  	_ = 	snop  }
0x7: {  	_ = 	snop  }
__scs_overlays_trampoline_lowered:
0x8: {  	[smem:$0x3FAA] =	sst s0  }
0x9: {  	[smem:$0x3FAB] =	sst s1  }
0xa: {  	[smem:$0x3FAC] =	sst s2  }
0xb: {  	[smem:$0x3FAD] =	sst s3  }
0xc: {  	[smem:$0x3FAE] =	sst s4  }
0xd: {  	[smem:$0x3FAF] =	sst s5  }
0xe: {  	[smem:$0x3FB0] =	sst s6  }
0xf: {  	[smem:$0x3FB1] =	sst s7  }
0x10: {  	[smem:$0x3FB2] =	sst s8  }
0x11: {  	[smem:$0x3FB3] =	sst s9;
	s0 =	simm.s32 @!p0 $0x0  }
0x12: {  	s1 =	sld [smem:$0x3F99];
	s0 =	simm.s32 @p0 $0x1  }
0x13: {  	[smem:$0x3FB4] =	sst s0;
	s0 =	simm.s32 @!p1 $0x0  }
0x14: {  	s2 =	sld [smem:$0x3F98];
	s0 =	simm.s32 @p1 $0x1  }
0x15: {  	[smem:$0x3FB5] =	sst s0;
	s0 =	simm.s32 @!p2 $0x0  }
0x16: {  	s3 =	sld [smem:$0x3FDB];
	s0 =	simm.s32 @p2 $0x1  }
0x17: {  	s4 =	simm.s32 $0x1BF5;
	[smem:$0x3FB7] =	sst s0  }
0x18: {  	s0 =	sld [smem:$0x3F9A];
	_ =	swait.ge [sflag:s4], $0x0  }
0x19: {  	s7 =	sld [smem:$0x3F9B]  }
0x1a: {  	s8 =	sadd.s32 $0xFFFFE003, lr  }
0x1b: {  	s9 =	sadd.s32 $0xFFFFFEF7, lr;
	s5 =	simm.s32 $0xFFFFFFFF;
	p2 =	slt.u32 s8, $0xFFFFF086  }
0x1c: {  	p1 =	slt.u32 s9, $0xF7A;
	s5 =	simm.s32 @!p2 $0x0  }
0x1d: {  	s5 =	simm.s32 @p1 $0x1;
	p0 =	seq.s32 s7, s2  }
0x1e: {  	s7 =	smul.u32 @!p0 $0xF7A, s2;
	p2 =	seq.s32 @!p0 s5, $0x0  }
0x1f: {  	s9 =	smul.u32 $0xF7A, s1;
	s8 =	simm.s32 @!p0 $0x1BF5;
	p2 =	por !p2, p0  }
0x20: {  	[sflag:s8] =	ssyncset.s32 @!p0 $0xFFFFF086;
	s6 =	sadd.s32 @!p0 s3, s7;
	s7 =	simm.s32 @!p0 $0x108  }
0x21: {  	s3 =	sadd.s32 s3, s9;
	s6 =	sadd.s32 @!p0 $0x88, s6;
	s7 =	simm.s32 @p2 $0x1082  }
0x22: {  	[simem:s7], [sflag:s8] =	dma.local @!p0 [hbm:s6], $0xF7A  }
0x23: {  	s9 =	sor.u32 $0xD0000000, s2;
	s6 =	simm.s32 $0x108;
	_ =	swait.ge @!p0 [sflag:s8], $0x0  }
0x24: {  	s3 =	sadd.s32 $0x88, s3;
	s6 =	simm.s32 @!p1 $0x1082;
	[sflag:s4] =	ssyncset.s32 $0xFFFFF086  }
0x25: {  	[simem:s6], [sflag:s4] =	dma.local [hbm:s3], $0xF7A  }
0x26: {  	[smem:$0x3F9B] =	sst s1;
	(tag) =	ssettag s2;
	_ =	strace s9  }
0x27: {  	s1 =	sld [smem:$0x3FAB]  }
0x28: {  	s2 =	sld [smem:$0x3FAC]  }
0x29: {  	s4 =	sld [smem:$0x3FAE]  }
0x2a: {  	p0 =	seq.s32 s5, $0x0;
	s5 =	sld [smem:$0x3FAF]  }
0x2b: {  	s6 =	sld [smem:$0x3FB0]  }
0x2c: {  	s7 =	sld [smem:$0x3FB1]  }
0x2d: {  	s3 =	simm.s32 $0x108;
	s8 =	sld [smem:$0x3FB2]  }
0x2e: {  	s3 =	simm.s32 @!p0 $0x1082;
	s9 =	sld [smem:$0x3FB3]  }
0x2f: {  	lr =	sadd.s32 s0, s3;
	s0 =	sld [smem:$0x3FAA]  }
0x30: {  	s3 =	sld [smem:$0x3FAD]  }
0x31: {  	[smem:$0x3FB6] =	sst s10  }
0x32: {  	s10 =	sld [smem:$0x3FB4];
	_ =	sdelay $0x3  }
0x33: {  	p0 =	seq.s32 s10, $0x1;
	s10 =	sld [smem:$0x3FB6];
	_ =	sdelay $0x3  }
0x34: {  	[smem:$0x3FB6] =	sst s10  }
0x35: {  	s10 =	sld [smem:$0x3FB5];
	_ =	sdelay $0x3  }
0x36: {  	p1 =	seq.s32 s10, $0x1;
	s10 =	sld [smem:$0x3FB6];
	_ =	sdelay $0x3  }
0x37: {  	[smem:$0x3FB6] =	sst s10  }
0x38: {  	s10 =	sld [smem:$0x3FB7]  }
0x39: {  	_ = 	snop;
	(pc) =	sbr.ind lr, $3  }
0x3a: {  	_ = 	snop  }
0x3b: {  	_ = 	snop  }
0x3c: {  	p2 =	seq.s32 s10, $0x1;
	s10 =	sld [smem:$0x3FB6]  }
0x3d: {  	_ =	shalt  }
0x3e: {  	_ =	shalt  }
0x3f: {  	_ =	shalt  }
0x40: {  	_ =	shalt  }
0x41: {  	_ =	shalt  }
0x42: {  	_ =	shalt  }
0x43: {  	_ =	shalt  }
0x44: {  	_ =	shalt  }
0x45: {  	_ =	shalt  }
0x46: {  	_ =	shalt  }
0x47: {  	_ =	shalt  }
0x48: {  	_ =	shalt  }
0x49: {  	_ =	shalt  }
0x4a: {  	_ =	shalt  }
0x4b: {  	_ =	shalt  }
0x4c: {  	_ =	shalt  }
0x4d: {  	_ =	shalt  }
0x4e: {  	_ =	shalt  }
0x4f: {  	_ =	shalt  }
0x50: {  	_ =	shalt  }
0x51: {  	_ =	shalt  }
0x52: {  	_ =	shalt  }
0x53: {  	_ =	shalt  }
0x54: {  	_ =	shalt  }
0x55: {  	_ =	shalt  }
0x56: {  	_ =	shalt  }
0x57: {  	_ =	shalt  }
0x58: {  	_ =	shalt  }
0x59: {  	_ =	shalt  }
0x5a: {  	_ =	shalt  }
0x5b: {  	_ =	shalt  }
0x5c: {  	_ =	shalt  }
0x5d: {  	_ =	shalt  }
0x5e: {  	_ =	shalt  }
0x5f: {  	_ =	shalt  }
0x60: {  	_ =	shalt  }
0x61: {  	_ =	shalt  }
0x62: {  	_ =	shalt  }
0x63: {  	_ =	shalt  }
0x64: {  	_ =	shalt  }
0x65: {  	_ =	shalt  }
0x66: {  	_ =	shalt  }
0x67: {  	_ =	shalt  }
0x68: {  	_ =	shalt  }
0x69: {  	_ =	shalt  }
0x6a: {  	_ =	shalt  }
0x6b: {  	_ =	shalt  }
0x6c: {  	_ =	shalt  }
0x6d: {  	_ =	shalt  }
0x6e: {  	_ =	shalt  }
0x6f: {  	_ =	shalt  }
0x70: {  	_ =	shalt  }
0x71: {  	_ =	shalt  }
0x72: {  	_ =	shalt  }
0x73: {  	_ =	shalt  }
0x74: {  	_ =	shalt  }
0x75: {  	_ =	shalt  }
0x76: {  	_ =	shalt  }
0x77: {  	_ =	shalt  }
0x78: {  	_ =	shalt  }
0x79: {  	_ =	shalt  }
0x7a: {  	_ =	shalt  }
0x7b: {  	_ =	shalt  }
0x7c: {  	_ =	shalt  }
0x7d: {  	_ =	shalt  }
0x7e: {  	_ =	shalt  }
0x7f: {  	_ =	shalt  }
0x80: {  	_ =	shalt  }
0x81: {  	_ =	shalt  }
0x82: {  	_ =	shalt  }
0x83: {  	_ =	shalt  }
0x84: {  	_ =	shalt  }
0x85: {  	_ =	shalt  }
0x86: {  	_ =	shalt  }
0x87: {  	_ =	shalt  }
.Lfunc_end0:
.L_simem_size_0:
called_computation_lowered:
.L_overlay_start_0:
0x88: {  	s2 =	sld [smem:$0x3FD9]  }
0x89: {  	s3 =	sld [smem:$0x3FFE];
	_ =	sdelay $0x1  }
0x8a: {  	s1 =	srdreg.scid  }
0x8b: {  	s0 =	sand.u32 $0x1, s1  }
0x8c: {  	s14 =	sshll.u32 s0, $0xA;
	s2 =	sadd.s32 s3, s2  }
0x8d: {  	s2 =	sadd.s32 s2, s14  }
0x8e: {  	[smem:$0x3FC2] =	sst s2  }
0x8f: {  	_ = 	snop  }
0x90: {  	s2 =	sld [smem:$0x3FD0];
	_ =	sdelay $0x2  }
0x91: {  	s15 =	simm.s32 $0xA;
	s4 =	simm.s32 $0x10  }
0x92: {  	[smem:s4], [sflag:s15] =	dma.local [hbm:s2], $0x1  }
0x93: {  	_ =	swait.eq [sflag:s15], $0x1  }
0x94: {  	[sflag:s15] =	ssyncset.done $0x0  }
0x95: {  	s16 =	sld [smem:$0x10];
	[sflag:s15] =	ssyncadd.s32 $0xFFFFFFFF  }
0x96: {  	s17 =	sld [smem:$0x11];
	(tm) =	ssettm $0x1  }
0x97: {  	s18 =	sld [smem:$0x3FFB];
	_ =	sdelay $0x3  }
0x98: {  	_ =	strace s18  }
0x99: {  	s4 =	sld [smem:$0x3FFC];
	_ =	sdelay $0x3  }
0x9a: {  	_ =	strace s4  }
0x9b: {  	s4 =	sld [smem:$0x3FFD];
	_ =	sdelay $0x3  }
0x9c: {  	_ =	strace s4  }
0x9d: {  	_ =	strace $0x8FFFFFFF  }
0x9e: {  	s19 =	sld [smem:$0x3FDB];
	_ =	sdelay $0x1  }
0x9f: {  	s5 =	simm.s32 $_scs_section_size  }
0xa0: {  	s6 =	simm.s32 $_size__tile_overlayer_lowered;
	s7 =	simm.s32 $_tile_overlayer_lowered  }
0xa1: {  	s22 =	simm.s32 $0x1BFF;
	s21 =	sshll.u32 s7, $0x1;
	s4 =	sadd.s32 s5, s19  }
0xa2: {  	s8 =	simm.s32 $0x0;
	s20 =	sshll.u32 s6, $0x1;
	s6 =	sadd.s32 s21, s4  }
0xa3: {  	[timem:s8], [sflag:s22] =	dma.local [hbm:s6], s20  }
0xa4: {  	_ =	swait.ge [sflag:s22], s20  }
0xa5: {  	s5 =	ssub.s32 $0x0, s20;
	[sflag:s22] =	ssyncset.done $0x0  }
0xa6: {  	[sflag:s22] =	ssyncadd.s32 s5;
	_ =	sdelay $0x1  }
0xa7: {  	s23 =	simm.s32 $0x1B8B  }
0xa8: {  	_ =	swait.ge [sflag:s23], $0x1  }
0xa9: {  	[sflag:s23] =	ssyncset.done $0x0  }
0xaa: {  	s25 =	simm.s32 $0x1B8E;
	s24 =	sld [smem:$0x3FFE];
	[sflag:s23] =	ssyncadd.s32 $0xFFFFFFFF  }
0xab: {  	s26 =	simm.s32 $execute0_lowered;
	[smem:$0x3FD2] =	sst s25  }
0xac: {  	s6 =	sshll.u32 s26, $0x1;
	_ =	strace $0x80000046;
	[dreg:$0x1] =	wrdreg $0xFFFFFFFF  }
0xad: {  	s28 =	simm.s32 $_size_execute0_lowered;
	s4 =	sadd.s32 s4, s6;
	[dreg:$0x0] =	wrdreg $0x0  }
0xae: {  	s6 =	sshll.u32 s28, $0x1;
	[dreg:$0x2] =	wrdreg s4  }
0xaf: {  	[dreg:$0x3] =	wrdreg s6  }
0xb0: {  	[dreg:$0x4] =	wrdreg $0xC0  }
0xb1: {  	_ =	task [dreg:s8], $0x5FFFF  }
0xb2: {  	[dreg:$0x1] =	wrdreg $0xFFFFFFFF  }
0xb3: {  	[dreg:$0x0] =	wrdreg $0x60  }
0xb4: {  	[dreg:$0x2] =	wrdreg s24  }
0xb5: {  	[dreg:$0x3] =	wrdreg s16  }
0xb6: {  	[dreg:$0x4] =	wrdreg s17  }
0xb7: {  	[dreg:$0x5] =	wrdreg $0x124D00  }
0xb8: {  	[dreg:$0x6] =	wrdreg $0x1C4D00  }
0xb9: {  	[dreg:$0x7] =	wrdreg $0x9  }
0xba: {  	_ =	task.clear_ibuf [dreg:s8], $0x8FFFF;
	_ =	strace $0x90000046  }
0xbb: {  	s29 =	simm.s32 $0x9;
	_ =	strace $0x80000048  }
0xbc: {  	_ =	swait.ge [sflag:s29], $0x1  }
0xbd: {  	[sflag:s29] =	ssyncadd.s32 $0xFFFFFFFF  }
0xbe: {  	_ =	strace $0x90000048  }
0xbf: {  	_ =	sfence  }
0xc0: {  	s30 =	sld [smem:$0x0];
	_ =	sdelay $0x2  }
0xc1: {  	s31 =	sshll.u32 s1, $0xD;
	s1 =	sshrl.u32 s1, $0x2  }
0xc2: {  	s3 =	sand.u32 $0x4000, s31;
	s1 =	sadd.s32 s1, s30  }
0xc3: {  	s0 =	sor.u32 s3, s0;
	s1 =	sshll.u32 s1, $0x11  }
0xc4: {  	s0 =	sor.u32 s1, s0  }
0xc5: {  	s0 =	sadd.s32 $0x8F2B, s0  }
0xc6: {  	[sflag:s0] =	ssyncadd.remote.s32 $0x1  }
0xc7: {  	_ =	sfence.sel $0xFFFF  }
0xc8: {  	[dreg:$0x0] =	wrdreg $0xFFFFFFFF;
	(pc) =	sbr.abs _section_cstart, $3  }
0xc9: {  	[dreg:$0x1] =	wrdreg $0xFFFFFFFF  }
0xca: {  	_ =	task.clear_ibuf [dreg:s8], $0x2FFFF;
	_ =	strace $0x9FFFFFFF  }
0xcb: {  	(tm) =	ssettm $0x7FFFFFFF  }
tec
execute0_lowered:
.L_overlay_start_1:
0x0: {  	(tag) =	ssettag $0x1  }
0x1: {  	s0 =	rddreg [dreg:$0x0]  }
0x2: {  	s1 =	rddreg [dreg:$0x1]  }
0x3: {  	s5 =	rddreg [dreg:$0x2]  }
0x4: {  	s2 =	rddreg [dreg:$0x3]  }
0x5: {  	s10 =	stileid.u32;
	s3 =	rddreg [dreg:$0x4]  }
0x6: {  	s4 =	simm.s32 $0x0;
	s7 =	srdreg.scid;
	s28 =	simm.s32 $0xDE80  }
0x7: {  	s30 =	simm.s32 $0xFDC0;
	s31 =	simm.s32 $0x1;
	s20 =	simm.s32 $0x4  }
0x8: {  	s21 =	simm.s32 $0x5;
	s6 =	smul.u32 $0x5000, s10;
	[smem:$0x7FF] =	sst s4  }
0x9: {  	s12 =	sand.u32 $0x1, s7;
	s22 =	sadd.s32 $0x1000, s0;
	s13 =	smul.u32 $0xA000, s10  }
0xa: {  	s23 =	sadd.s32 $0x2400, s0;
	s14 =	smul.u32 $0x2800, s10;
	s24 =	sadd.s32 $0xE00, s0  }
0xb: {  	s25 =	sshll.u32 s10, $0x6;
	_ =	strace $0x80000047;
	[dreg:$0x6] =	wrdreg s22  }
0xc: {  	s8 =	ssub.s32 $0x2, s12;
	[dreg:$0x7] =	wrdreg s23;
	s16 =	smul.u32 $0xA0000, s12  }
0xd: {  	[dreg:$0x8] =	wrdreg s24;
	s18 =	smul.u32 $0x28000, s12;
	p0 =	seq.s32 s12, $0x0  }
0xe: {  	s22 =	simm.s32 $0x7D;
	s23 =	simm.s32 $0xA000;
	s24 =	simm.s32 $0x0  }
0xf: {  	s6 =	sshrl.u32 s6, $0x3;
	s9 =	sshrl.u32 s8, $0x1;
	s17 =	sadd.s32 s13, s2  }
0x10: {  	s19 =	sadd.s32 s14, s3;
	s11 =	sadd.s32 s6, s0;
	s15 =	ssub.s32 s8, s9  }
0x11: {  	s8 =	smul.u32 $0x50, s12;
	s9 =	sor.u32 $0x1C06, s25;
	s13 =	sadd.s32 s13, s16  }
0x12: {  	s14 =	sadd.s32 s14, s18;
	s16 =	simm.s32 $0x2A00;
	s17 =	sshrl.u32 s17, $0x3  }
0x13: {  	s18 =	simm.s32 $0x6;
	s19 =	sshrl.u32 s19, $0x3;
	s25 =	simm.s32 $0xBF40  }
0x14: {  	s26 =	sadd.s32 $0x29E00, s11;
	s29 =	sadd.s32 $0x33E00, s11;
	s13 =	sshrl.u32 s13, $0x3  }
0x15: {  	s14 =	sshrl.u32 s14, $0x3;
	s16 =	simm.s32 @!p0 $0x16400;
	[dreg:$0x9] =	wrdreg s26  }
0x16: {  	s15 =	smax.u32 s15, $0x1;
	[dreg:$0xa] =	wrdreg s29;
	s12 =	sadd.s32 $0x50, s8  }
0x17: {  	s1 =	sadd.s32 s1, s13;
	s14 =	sadd.s32 s5, s14;
	s16 =	sadd.s32 s16, s0  }
0x18: {  	s0 =	simm.s32 $0x3;
	[dreg:$0xb] =	wrdreg s1;
	s1 =	simm.s32 $0x2  }
.LBB2_1:
0x19: {  	s5 =	rddreg [dreg:$0x6]  }
0x1a: {  	[spmem:s17], [sflag:s9] =	dma.local [hbm:s5], $0x1400  }
0x1b: {  	_ =	swait.ge [sflag:s18], $0x1400  }
0x1c: {  	[sflag:s18] =	ssyncset.done $0x0  }
0x1d: {  	s11 =	rddreg [dreg:$0x7];
	[sflag:s18] =	ssyncadd.s32 $0xFFFFEC00  }
0x1e: {  	[spmem:s19], [sflag:s9] =	dma.local [hbm:s11], $0x500  }
0x1f: {  	_ =	swait.ge [sflag:s18], $0x500  }
0x20: {  	[sflag:s18] =	ssyncset.done $0x0  }
0x21: {  	s13 =	rddreg [dreg:$0x9];
	[sflag:s18] =	ssyncadd.s32 $0xFFFFFB00  }
0x22: {  	[tilespmem:s4], [sflag:$0x6] =	stream.linear.gather [hbm4b:s13+s4], $0x5000, $0x38;
	[tilespmem:$0x1ECD0] =	vst v63  }
0x23: {  	_ =	swait.ge [sflag:s18], $0x5000  }
0x24: {  	[sflag:s18] =	ssyncset.done $0x0  }
0x25: {  	s6 =	simm.s32 $0x5000;
	s26 =	rddreg [dreg:$0xa];
	[sflag:s18] =	ssyncadd.s32 $0xFFFFB000  }
0x26: {  	[tilespmem:s6], [sflag:$0x6] =	stream.linear.gather [hbm4b:s26+s4], $0x5000, $0x38;
	[tilespmem:$0x1ECD0] =	vst v63  }
0x27: {  	_ =	swait.ge [sflag:s18], $0x5000  }
0x28: {  	[sflag:s18] =	ssyncset.done $0x0  }
0x29: {  	s10 =	simm.s32 $0x11D00;
	s7 =	rddreg [dreg:$0x8];
	[sflag:s18] =	ssyncadd.s32 $0xFFFFB000  }
0x2a: {  	[tilespmem:s10], [sflag:$0x6] =	stream.linear.gather [hbm4b:s7+s4], $0x7D0, $0x38;
	[tilespmem:$0x1ECD0] =	vst v63  }
0x2b: {  	_ =	swait.ge [sflag:s18], $0x7D0  }
0x2c: {  	[sflag:s18] =	ssyncset.done $0x0  }
0x2d: {  	[sflag:s18] =	ssyncadd.s32 $0xFFFFF830  }
0x2e: {  	[bflag:$0x0] =	sbarrier.arrive $0xFFFF  }
0x2f: {  	[tilespmem:s23], [sflag:$0x1] =	stream.indirect.gather [hbm4b:s16+s22], $0x40, s4, s22, $0xb8;
	[tilespmem:$0x1ECD0] =	vst v63  }
0x30: {  	s11 =	simm.s32 $0x80  }
0x31: {  	[tilespmem:s25], [sflag:$0x2] =	stream.indirect.gather [hbm4b:s16+s22], $0x40, s11, s22, $0xb8;
	[tilespmem:$0x1ECD0] =	vst v63  }
0x32: {  	s13 =	simm.s32 $0x100  }
0x33: {  	[tilespmem:s28], [sflag:$0x3] =	stream.indirect.gather [hbm4b:s16+s22], $0x40, s13, s22, $0xb8;
	[tilespmem:$0x1ECD0] =	vst v63  }
0x34: {  	s26 =	simm.s32 $0x180  }
0x35: {  	[tilespmem:s30], [sflag:$0x4] =	stream.indirect.gather [hbm4b:s16+s22], $0x40, s26, s22, $0xb8;
	[tilespmem:$0x1ECD0] =	vst v63  }
0x36: {  	s29 =	simm.s32 $0x0;
	s26 =	simm.s32 $0x3  }
.LBB2_2:
0x37: {  	_ =	swait.ge [sflag:s31], $0x1F40;
	s6 =	sadd.s32 $0xFFFFFFFD, s26  }
0x38: {  	s5 =	sshra.s32 s29, $0x2;
	[sflag:s31] =	ssyncset.done $0x0;
	p0 =	slt.u32 s6, s8  }
0x39: {  	s7 =	sadd.s32 $0x5000, s5;
	[sflag:s31] =	ssyncadd.s32 $0xFFFFE0C0;
	p1 =	sge.u32 @!p0 s6, s12  }
0x3a: {  	[spmem:s2] =	stream.indirect.scatter.add.f32 [tilespmem:s23], [sflag:$0x6], $0x40, s7, s22, $0xb8;
	[tilespmem:$0x1ECD0] =	vst v63  }
0x3b: {  	p0 =	por p1, p0;
	_ =	swait.ge [sflag:s18], $0x1F40  }
0x3c: {  	s6 =	sshra.s32 @!p0 s29, $0x2;
	[sflag:s18] =	ssyncset.done $0x0  }
0x3d: {  	s7 =	simm.s32 @!p0 $0x7D;
	s10 =	simm.s32 @!p0 $0x11D00;
	[sflag:s18] =	ssyncadd.s32 $0xFFFFE0C0  }
0x3e: {  	[spmem:s3] =	stream.indirect.scatter.add.f32 @!p0 [tilespmem:s10], [sflag:$0x5], $0x10, s6, s7, $0xb8;
	[tilespmem:$0x1ECD0] =	vst v63  }
0x3f: {  	p0 =	seq.s32 s29, $0x13800  }
0x40: {  	s6 =	sshra.s32 @!p0 s29, $0x2  }
0x41: {  	s10 =	simm.s32 @!p0 $0x7D;
	s11 =	simm.s32 @!p0 $0xA000;
	s7 =	sadd.s32 @!p0 $0x200, s6  }
0x42: {  	[tilespmem:s11], [sflag:$0x1] =	stream.indirect.gather @!p0 [hbm4b:s16+s10], $0x40, s7, s10, $0xb8;
	[tilespmem:$0x1ECD0] =	vst v63  }
0x43: {  	s7 =	sadd.s32 $0xFFFFFFFE, s26;
	_ =	swait.ge [sflag:s1], $0x1F40  }
0x44: {  	p1 =	slt.u32 s7, s8;
	[sflag:s1] =	ssyncset.done $0x0  }
0x45: {  	s13 =	sadd.s32 $0x5080, s5;
	p2 =	sge.u32 @!p1 s7, s12;
	[sflag:s1] =	ssyncadd.s32 $0xFFFFE0C0  }
0x46: {  	[spmem:s2] =	stream.indirect.scatter.add.f32 [tilespmem:s25], [sflag:$0x6], $0x40, s13, s22, $0xb8;
	[tilespmem:$0x1ECD0] =	vst v63  }
0x47: {  	p1 =	por p2, p1;
	_ =	swait.ge [sflag:s18], $0x1F40  }
0x48: {  	s7 =	sshra.s32 @!p1 s29, $0x2;
	s11 =	simm.s32 @!p1 $0x7D;
	[sflag:s18] =	ssyncset.done $0x0  }
0x49: {  	s13 =	simm.s32 @!p1 $0x11D00;
	s7 =	sadd.s32 @!p1 $0x80, s7;
	[sflag:s18] =	ssyncadd.s32 $0xFFFFE0C0  }
0x4a: {  	[spmem:s3] =	stream.indirect.scatter.add.f32 @!p1 [tilespmem:s13], [sflag:$0x5], $0x10, s7, s11, $0xb8;
	[tilespmem:$0x1ECD0] =	vst v63  }
0x4b: {  	s7 =	sadd.s32 @!p0 $0x280, s6;
	s11 =	simm.s32 @!p0 $0xBF40  }
0x4c: {  	[tilespmem:s11], [sflag:$0x2] =	stream.indirect.gather @!p0 [hbm4b:s16+s10], $0x40, s7, s10, $0xb8;
	[tilespmem:$0x1ECD0] =	vst v63  }
0x4d: {  	s7 =	sadd.s32 $0xFFFFFFFF, s26;
	_ =	swait.ge [sflag:s0], $0x1F40  }
0x4e: {  	p1 =	slt.u32 s7, s8;
	[sflag:s0] =	ssyncset.done $0x0  }
0x4f: {  	s13 =	sadd.s32 $0x5100, s5;
	p2 =	sge.u32 @!p1 s7, s12;
	[sflag:s0] =	ssyncadd.s32 $0xFFFFE0C0  }
0x50: {  	[spmem:s2] =	stream.indirect.scatter.add.f32 [tilespmem:s28], [sflag:$0x6], $0x40, s13, s22, $0xb8;
	[tilespmem:$0x1ECD0] =	vst v63  }
0x51: {  	p1 =	por p2, p1;
	_ =	swait.ge [sflag:s18], $0x1F40  }
0x52: {  	s7 =	sshra.s32 @!p1 s29, $0x2;
	s11 =	simm.s32 @!p1 $0x7D;
	[sflag:s18] =	ssyncset.done $0x0  }
0x53: {  	s13 =	simm.s32 @!p1 $0x11D00;
	s7 =	sadd.s32 @!p1 $0x100, s7;
	[sflag:s18] =	ssyncadd.s32 $0xFFFFE0C0  }
0x54: {  	[spmem:s3] =	stream.indirect.scatter.add.f32 @!p1 [tilespmem:s13], [sflag:$0x5], $0x10, s7, s11, $0xb8;
	[tilespmem:$0x1ECD0] =	vst v63  }
0x55: {  	s6 =	sadd.s32 @!p0 $0x300, s6;
	s7 =	simm.s32 @!p0 $0xDE80  }
0x56: {  	[tilespmem:s7], [sflag:$0x3] =	stream.indirect.gather @!p0 [hbm4b:s16+s10], $0x40, s6, s10, $0xb8;
	[tilespmem:$0x1ECD0] =	vst v63  }
0x57: {  	_ =	swait.ge [sflag:s20], $0x1F40  }
0x58: {  	[sflag:s20] =	ssyncset.done $0x0  }
0x59: {  	s13 =	sadd.s32 $0x5180, s5;
	p1 =	slt.u32 s26, s8;
	[sflag:s20] =	ssyncadd.s32 $0xFFFFE0C0  }
0x5a: {  	[spmem:s2] =	stream.indirect.scatter.add.f32 [tilespmem:s30], [sflag:$0x6], $0x40, s13, s22, $0xb8;
	[tilespmem:$0x1ECD0] =	vst v63  }
.Ltmp0:
0x5b: {  	p2 =	sge.u32 @!p1 s26, s12;
	(pc) =	sbr.rel @p0 .LBB2_4-.Ltmp0, $4  }
0x5c: {  	p1 =	por p2, p1;
	_ =	swait.ge [sflag:s18], $0x1F40  }
0x5d: {  	s6 =	sshra.s32 @!p1 s29, $0x2;
	s7 =	simm.s32 @!p1 $0x7D;
	[sflag:s18] =	ssyncset.done $0x0  }
0x5e: {  	s10 =	simm.s32 @!p1 $0x11D00;
	s6 =	sadd.s32 @!p1 $0x180, s6;
	[sflag:s18] =	ssyncadd.s32 $0xFFFFE0C0  }
0x5f: {  	[spmem:s3] =	stream.indirect.scatter.add.f32 @!p1 [tilespmem:s10], [sflag:$0x5], $0x10, s6, s7, $0xb8;
	[tilespmem:$0x1ECD0] =	vst v63  }
.Ltmp1:
0x60: {  	(pc) =	sbr.rel .LBB2_2-.Ltmp1, $3  }
0x61: {  	_ =	sdelay $0x1  }
0x62: {  	s5 =	sadd.s32 $0x380, s5;
	s29 =	sadd.s32 $0x800, s29;
	s26 =	sadd.s32 $0x4, s26  }
0x63: {  	[tilespmem:s30], [sflag:$0x4] =	stream.indirect.gather [hbm4b:s16+s22], $0x40, s5, s22, $0xb8;
	[tilespmem:$0x1ECD0] =	vst v63  }
.LBB2_4:
0x64: {  	_ =	swait.ge [sflag:s21], $0x7D0  }
0x65: {  	s5 =	simm.s32 $0x4F;
	[sflag:s21] =	ssyncset.done $0x0  }
.LBB2_5:
0x66: {  	p0 =	sne.s32 s5, $0x1;
	s5 =	sadd.s32 $0xFFFFFFFF, s5;
	[sflag:s21] =	ssyncadd.s32 $0xFFFFF830  }
.Ltmp2:
0x67: {  	(pc) =	sbr.rel @p0 .LBB2_5-.Ltmp2, $3  }
0x68: {  	_ =	sdelay $0x1  }
0x69: {  	_ =	swait.ge [sflag:s21], $0x7D0  }
0x6a: {  	[sflag:s21] =	ssyncset.done $0x0  }
0x6b: {  	[sflag:s21] =	ssyncadd.s32 $0xFFFFF830  }
0x6c: {  	[bflag:$0x0] =	sbarrier.arrive $0xFFFF  }
0x6d: {  	s5 =	rddreg [dreg:$0xb]  }
0x6e: {  	[hbm:s5], [sflag:s9] =	dma.local [spmem:s17], $0x1400  }
0x6f: {  	s24 =	sadd.s32 $0x1, s24;
	_ =	swait.ge [sflag:s18], $0x1400  }
0x70: {  	p0 =	sne.s32 s24, s15;
	[sflag:s18] =	ssyncset.done $0x0  }
.Ltmp3:
0x71: {  	[sflag:s18] =	ssyncadd.s32 $0xFFFFEC00;
	(pc) =	sbr.rel @p0 .LBB2_1-.Ltmp3, $4  }
0x72: {  	[hbm:s14], [sflag:s9] =	dma.local [spmem:s19], $0x500  }
0x73: {  	_ =	swait.ge [sflag:s18], $0x500  }
0x74: {  	[sflag:s18] =	ssyncset.done $0x0  }
0x75: {  	[sflag:s18] =	ssyncadd.s32 $0xFFFFFB00  }
0x76: {  	_ =	sfence.sel $0x180000  }
0x77: {  	[bflag:$0x0] =	sbarrier.arrive $0xFFFF  }
0x78: {  	_ =	strace $0x90000047  }
0x79: {  	s0 =	stileid.u32;
	[bflag:$0x2] =	sbarrier.arrive $0xFFFF  }
0x7a: {  	p0 =	sne.s32 s0, $0x0;
	s0 =	rddreg [dreg:$0x5]  }
0x7b: {  	s0 =	sadd.s32 @!p0 $0x100000, s0  }
0x7c: {  	[sflag:s0] =	ssyncadd.tile.s32 @!p0 $0x1;
	_ =	shalt  }
.Lfunc_end2:
_tile_overlayer_lowered:
.L_overlay_start_2:
0x7d: {  	(tag) =	ssettag $0x2  }
0x7e: {  	s0 =	rddreg [dreg:$0x0];
	s2 =	stileid.u32  }
0x7f: {  	s1 =	rddreg [dreg:$0x1];
	p0 =	sne.s32 s2, $0x0  }
0x80: {  	s3 =	rddreg [dreg:$0x2];
	[bflag:$0x3] =	sbarrier.arrive $0xFFFF;
	s2 =	simm.s32 @!p0 $0x1C06  }
0x81: {  	[timem:s3], [sflag:s2] =	dma.local @!p0 [hbm:s0], s1  }
0x82: {  	s0 =	simm.s32 @!p0 $0x6  }
0x83: {  	_ =	swait.ge @!p0 [sflag:s0], s1  }
0x84: {  	s1 =	ssub.s32 @!p0 $0x0, s1;
	[sflag:s0] =	ssyncset.done @!p0 $0x0  }
0x85: {  	[sflag:s0] =	ssyncadd.s32 @!p0 s1  }
0x86: {  	[bflag:$0x3] =	sbarrier.arrive $0xFFFF  }
0x87: {  	_ =	shalt  }

</sc_bundles>
